<compile_context>
chip_gen: v7x
topology: tpu7x:2x2x1
jax: 0.10.2.dev20260603
libtpu: 0.0.44.dev20260713+nightly
codegen_flags: <defaults>
</compile_context>

<pallas_src>
import jax
import jax.numpy as jnp
from jax import lax
from jax.experimental import pallas as pl
from jax.experimental.pallas import tpu as pltpu
from jax.experimental.pallas import tpu_sc as plsc

T = 2048
D = 1024
E = 8
DFF = 1024
V = 16000
SK = 64
NOV_TH = 0.5
REASON_TH = 0.9
MAX_STEPS = 4

_NC, _NS = 2, 16
_NW = _NC * _NS
_BPW = T // _NW


def _gather_body(table_hbm, idx_hbm, out_hbm, idx_v, rows_v, sem):
    wid = lax.axis_index("s") * _NC + lax.axis_index("c")
    base = wid * _BPW
    pltpu.sync_copy(idx_hbm.at[pl.ds(base, _BPW)], idx_v)
    pltpu.async_copy(table_hbm.at[idx_v], rows_v, sem).wait()
    pltpu.sync_copy(rows_v, out_hbm.at[pl.ds(base, _BPW)])


def _sc_gather(table, ids):
    mesh = plsc.VectorSubcoreMesh(core_axis_name="c", subcore_axis_name="s")
    f = pl.kernel(
        _gather_body,
        mesh=mesh,
        out_type=jax.ShapeDtypeStruct((T, D), jnp.float32),
        scratch_types=[
            pltpu.VMEM((_BPW,), jnp.int32),
            pltpu.VMEM((_BPW, D), jnp.float32),
            pltpu.SemaphoreType.DMA,
        ],
    )
    return f(table, ids)


def _moe_body(x_ref, rw_ref, sp_ref, buf_ref, ng_ref, nb_ref, w1_ref, w2_ref,
              stats_ref, zsum_ref, deep_ref, shallow_ref, moe_ref, msum_ref,
              gate_ref):
    e = pl.program_id(0)

    @pl.when(e == 0)
    def _router_part():
        x = x_ref[...]
        mu_x = jnp.mean(x, axis=-1, keepdims=True)
        vv_x = jnp.mean((x - mu_x) ** 2, axis=-1, keepdims=True)
        shallow_ref[...] = ((x - mu_x) / jnp.sqrt(vv_x + 1e-5) * ng_ref[...]
                           + nb_ref[...]).astype(jnp.bfloat16)
        rl = jnp.dot(x, rw_ref[...], preferred_element_type=jnp.float32)
        m = jnp.max(rl, axis=-1, keepdims=True)
        ex = jnp.exp(rl - m)
        se = jnp.sum(ex, axis=-1, keepdims=True)
        probs = ex / se
        lse = m[:, 0] + jnp.log(se[:, 0])
        ii = lax.broadcasted_iota(jnp.int32, (T, E), 1)
        v1 = jnp.max(probs, axis=-1)
        a1 = jnp.min(jnp.where(probs == v1[:, None], ii, E), axis=-1)
        m1 = ii == a1[:, None]
        probs2 = jnp.where(m1, -jnp.inf, probs)
        v2 = jnp.max(probs2, axis=-1)
        a2 = jnp.min(jnp.where(probs2 == v2[:, None], ii, E), axis=-1)
        m2 = ii == a2[:, None]
        ws = v1 + v2 + 1e-9
        gate = (jnp.where(m1, (v1 / ws)[:, None], 0.0)
                + jnp.where(m2, (v2 / ws)[:, None], 0.0))
        gate_ref[...] = gate
        zero_row = jnp.zeros((E, 128), jnp.float32)
        stats_ref[0:1, :] = jnp.zeros((1, 128), jnp.float32) + jnp.sum(lse * lse)
        stats_ref[1:1 + E, :] = zero_row + jnp.sum(m1.astype(jnp.float32), axis=0)[:, None]
        stats_ref[1 + E:1 + 2 * E, :] = zero_row + jnp.sum(probs, axis=0)[:, None]
        zsum = jnp.sum(x, axis=0, keepdims=True)
        zsum_ref[...] = zsum

        z = zsum / float(T)
        s = jnp.dot(z, sp_ref[...], preferred_element_type=jnp.float32)
        s = s / (jnp.sqrt(jnp.sum(s * s)) + 1e-8)
        b = buf_ref[...]
        bn = b / (jnp.sqrt(jnp.sum(b * b, axis=-1, keepdims=True)) + 1e-8)
        scores = lax.dot_general(s, bn, (((1,), (1,)), ((), ())),
                                 preferred_element_type=jnp.float32)
        nov = 1.0 - jnp.max(scores)
        flag = jnp.where(nov > NOV_TH, 1.0, 0.0)
        deep_ref[...] = jnp.zeros((1, 128), jnp.float32) + flag

    xb = x_ref[...].astype(jnp.bfloat16)
    h = jnp.maximum(
        jnp.dot(xb, w1_ref[0].astype(jnp.bfloat16),
                preferred_element_type=jnp.float32), 0.0)
    y = jnp.dot(h.astype(jnp.bfloat16), w2_ref[0].astype(jnp.bfloat16),
                preferred_element_type=jnp.float32)
    ci = lax.broadcasted_iota(jnp.int32, (T, E), 1)
    g = jnp.sum(jnp.where(ci == e, gate_ref[...], 0.0), axis=1, keepdims=True)
    contrib = y * g

    @pl.when(e == 0)
    def _():
        moe_ref[...] = contrib

    @pl.when(e > 0)
    def _():
        moe_ref[...] += contrib

    @pl.when(e == E - 1)
    def _():
        msum_ref[...] = jnp.sum(moe_ref[...], axis=0, keepdims=True)


def _moe(x, rw, sketch_P, buffer, norm_g, norm_b, w1, w2):
    return pl.pallas_call(
        _moe_body,
        grid=(E,),
        in_specs=[
            pl.BlockSpec((T, D), lambda e: (0, 0)),
            pl.BlockSpec((D, E), lambda e: (0, 0)),
            pl.BlockSpec((D, SK), lambda e: (0, 0)),
            pl.BlockSpec((1024, SK), lambda e: (0, 0)),
            pl.BlockSpec((1, D), lambda e: (0, 0)),
            pl.BlockSpec((1, D), lambda e: (0, 0)),
            pl.BlockSpec((1, D, DFF), lambda e: (e, 0, 0)),
            pl.BlockSpec((1, DFF, D), lambda e: (e, 0, 0)),
        ],
        out_specs=[
            pl.BlockSpec((1 + 2 * E, 128), lambda e: (0, 0)),
            pl.BlockSpec((1, D), lambda e: (0, 0)),
            pl.BlockSpec((1, 128), lambda e: (0, 0)),
            pl.BlockSpec((T, D), lambda e: (0, 0)),
            pl.BlockSpec((T, D), lambda e: (0, 0)),
            pl.BlockSpec((1, D), lambda e: (0, 0)),
        ],
        out_shape=[
            jax.ShapeDtypeStruct((1 + 2 * E, 128), jnp.float32),
            jax.ShapeDtypeStruct((1, D), jnp.float32),
            jax.ShapeDtypeStruct((1, 128), jnp.float32),
            jax.ShapeDtypeStruct((T, D), jnp.bfloat16),
            jax.ShapeDtypeStruct((T, D), jnp.float32),
            jax.ShapeDtypeStruct((1, D), jnp.float32),
        ],
        scratch_shapes=[pltpu.VMEM((T, E), jnp.float32)],
        interpret=False,
    )(x, rw, sketch_P, buffer, norm_g, norm_b, w1, w2)


_VB = 512


def _logits_body(sh_ref, moe_ref, msum_ref, zsum_ref, pw_ref, pb_ref, lg_ref,
                 lb_ref, wz_ref, wc_ref, bz_ref, wconf_ref, bconf_ref,
                 deep_ref, g_ref, b_ref, e_ref, o_ref, conf_ref, f_scr):
    i = pl.program_id(0)

    @pl.when(i == 0)
    def _():
        mm = (msum_ref[...] / float(T)).astype(jnp.bfloat16)
        zr = jnp.dot(mm, pw_ref[...], preferred_element_type=jnp.float32) + pb_ref[...]
        mu0 = jnp.mean(zr)
        vv0 = jnp.mean((zr - mu0) ** 2)
        z_cur = (zr - mu0) / jnp.sqrt(vv0 + 1e-5) * lg_ref[...] + lb_ref[...]
        ctx = (zsum_ref[...] / float(T)).astype(jnp.bfloat16)
        cw = jnp.dot(ctx, wc_ref[...], preferred_element_type=jnp.float32) + bz_ref[...]
        halted = jnp.zeros((), jnp.bool_)
        conf = jnp.zeros((), jnp.float32)
        for _ in range(MAX_STEPS):
            hstep = jnp.tanh(
                jnp.dot(z_cur.astype(jnp.bfloat16), wz_ref[...],
                        preferred_element_type=jnp.float32) + cw)
            c = jax.nn.sigmoid(jnp.sum(hstep * wconf_ref[...]) + bconf_ref[0, 0])
            z_cur = jnp.where(halted, z_cur, hstep)
            conf = jnp.where(halted, conf, c)
            halted = jnp.logical_or(halted, c > REASON_TH)
        conf_ref[...] = jnp.zeros((1, 128), jnp.float32) + conf

        g = g_ref[...]
        b = b_ref[...]
        t = moe_ref[...] + z_cur
        mu = jnp.mean(t, axis=-1, keepdims=True)
        vv = jnp.mean((t - mu) ** 2, axis=-1, keepdims=True)
        deepo = ((t - mu) / jnp.sqrt(vv + 1e-5) * g + b).astype(jnp.bfloat16)
        flag = deep_ref[0, 0] > 0.0
        f_scr[...] = jnp.where(flag, deepo, sh_ref[...])

    o_ref[...] = lax.dot_general(
        f_scr[...], e_ref[...].astype(jnp.bfloat16),
        (((1,), (1,)), ((), ())),
        preferred_element_type=jnp.float32)


def _logits(shallow, moe, msum, zsum, pw, pb, lg, lb, wz, wc, bz, wconf,
            bconf, deep, norm_g, norm_b, embed_W):
    full = lambda shape: pl.BlockSpec(shape, lambda i: tuple(0 for _ in shape))
    return pl.pallas_call(
        _logits_body,
        grid=(pl.cdiv(V, _VB),),
        in_specs=[
            full((T, D)),
            full((T, D)),
            full((1, D)),
            full((1, D)),
            full((D, D)),
            full((1, D)),
            full((1, D)),
            full((1, D)),
            full((D, D)),
            full((D, D)),
            full((1, D)),
            full((1, D)),
            full((1, 1)),
            full((1, 128)),
            full((1, D)),
            full((1, D)),
            pl.BlockSpec((_VB, D), lambda i: (i, 0)),
        ],
        out_specs=[
            pl.BlockSpec((T, _VB), lambda i: (0, i)),
            full((1, 128)),
        ],
        out_shape=[
            jax.ShapeDtypeStruct((T, V), jnp.float32),
            jax.ShapeDtypeStruct((1, 128), jnp.float32),
        ],
        scratch_shapes=[pltpu.VMEM((T, D), jnp.bfloat16)],
        interpret=False,
    )(shallow, moe, msum, zsum, pw.astype(jnp.bfloat16), pb, lg, lb,
      wz.astype(jnp.bfloat16), wc.astype(jnp.bfloat16), bz, wconf, bconf,
      deep, norm_g, norm_b, embed_W)


def kernel(input_ids, embed_W, router_W, w1, w2, proj_W, proj_b,
           ln_proj_g, ln_proj_b, norm_g, norm_b, Wz, Wc, bz, wconf, bconf,
           sketch_P, buffer):
    ids = input_ids.reshape(T).astype(jnp.int32)
    x = _sc_gather(embed_W, ids)
    stats, zsum, deep, shallow, moe, msum = _moe(
        x, router_W, sketch_P, buffer, norm_g.reshape(1, D),
        norm_b.reshape(1, D), w1, w2)
    logits, confv = _logits(
        shallow, moe, msum, zsum, proj_W, proj_b.reshape(1, D),
        ln_proj_g.reshape(1, D), ln_proj_b.reshape(1, D), Wz, Wc,
        bz.reshape(1, D), wconf.reshape(1, D), bconf.reshape(1, 1),
        deep, norm_g.reshape(1, D), norm_b.reshape(1, D), embed_W)
    logits = logits.reshape(1, T, V)

    dm = deep[0, 0] > 0.0
    lse2 = stats[0, 0]
    f_sum = stats[1:1 + E, 0]
    p_sum = stats[1 + E:1 + 2 * E, 0]
    z_loss = jnp.where(dm, lse2 / T, 0.0)
    aux_loss = jnp.where(dm, E * jnp.sum(f_sum * p_sum) / (T * T), 0.0)
    confidence = jnp.where(deep[0:1, 0] > 0.0, confv[0:1, 0], 0.0)
    return logits, z_loss, aux_loss, confidence

# --- scband reference (transcript-rebuilt; emitter-appended) ---
"""Pipeline reference for scband-omni-genesis-agi-23587960389766 (READ-ONLY COPY).

The authoritative reference and input builder live on the scoring server;
editing this copy changes nothing except your own understanding.
"""

import jax, jax.numpy as jnp
import numpy as np

B, S, DIM, VOCAB = 1, 2048, 1024, 16000
E, TOPK, DFF = 8, 2, 1024
BUF, SKETCH = 1024, 64
MAX_STEPS, REASON_TH, NOV_TH = 4, 0.9, 0.5


def _ln(x, g, b):
    m = x.mean(axis=-1, keepdims=True)
    v = x.var(axis=-1, keepdims=True)
    return (x - m) / jnp.sqrt(v + 1e-5) * g + b


def setup_inputs(seed: int = 0):
    key = jax.random.key(seed)
    ks = jax.random.split(key, 16)
    return {
        "input_ids": jax.random.randint(ks[0], (B, S), 0, VOCAB),
        "embed_W": jax.random.normal(ks[1], (VOCAB, DIM), jnp.float32) * 0.02,
        "router_W": jax.random.normal(ks[2], (DIM, E), jnp.float32) * 0.02,
        "w1": jax.random.normal(ks[3], (E, DIM, DFF), jnp.float32) * 0.02,
        "w2": jax.random.normal(ks[4], (E, DFF, DIM), jnp.float32) * 0.02,
        "proj_W": jax.random.normal(ks[5], (DIM, DIM), jnp.float32) * 0.02,
        "proj_b": jnp.zeros((DIM,), jnp.float32),
        "ln_proj_g": jnp.ones((DIM,), jnp.float32),
        "ln_proj_b": jnp.zeros((DIM,), jnp.float32),
        "norm_g": jnp.ones((DIM,), jnp.float32),
        "norm_b": jnp.zeros((DIM,), jnp.float32),
        "Wz": jax.random.normal(ks[6], (DIM, DIM), jnp.float32) * 0.02,
        "Wc": jax.random.normal(ks[7], (DIM, DIM), jnp.float32) * 0.02,
        "bz": jnp.zeros((DIM,), jnp.float32),
        "wconf": jax.random.normal(ks[8], (DIM,), jnp.float32) * 0.02,
        "bconf": jnp.zeros((), jnp.float32),
        "sketch_P": jax.random.normal(ks[9], (DIM, SKETCH), jnp.float32) * 0.1,
        "buffer": jax.random.normal(ks[10], (BUF, SKETCH), jnp.float32),
    }


def reference(input_ids, embed_W, router_W, w1, w2, proj_W, proj_b,
              ln_proj_g, ln_proj_b, norm_g, norm_b, Wz, Wc, bz, wconf, bconf,
              sketch_P, buffer):
    # embedding lookup (SparseCore gather)
    x = jnp.take(embed_W, input_ids, axis=0)            # [B,S,D]
    z_seq = x.mean(axis=1)                              # [B,D]

    # novelty buffer score (detached in torch)
    zs = jax.lax.stop_gradient(z_seq)
    s = zs @ sketch_P
    s = s / (jnp.linalg.norm(s, axis=-1, keepdims=True) + 1e-8)
    bn = buffer / (jnp.linalg.norm(buffer, axis=-1, keepdims=True) + 1e-8)
    novelty = 1.0 - (s @ bn.T).max(axis=1)              # [B]
    deep_mask = novelty > NOV_TH                        # [B] bool

    shallow = _ln(x, norm_g, norm_b)

    # ---- UnifiedMoE (top-k router, dense expert compute, mask-weighted losses) ----
    T = B * S
    xf = x.reshape(T, DIM)
    rl = xf @ router_W                                  # [T,E]
    probs = jax.nn.softmax(rl, axis=-1)
    top_vals, top_idx = jax.lax.top_k(probs, TOPK)
    top_w = top_vals / (top_vals.sum(axis=-1, keepdims=True) + 1e-9)
    gate = jnp.zeros((T, E), jnp.float32).at[jnp.arange(T)[:, None], top_idx].add(top_w)
    h = jax.nn.relu(jnp.einsum('td,edf->tef', xf, w1))
    y = jnp.einsum('tef,efd->ted', h, w2)
    moe_out = jnp.einsum('ted,te->td', y, gate).reshape(B, S, DIM)

    tok_w = jnp.repeat(deep_mask.astype(jnp.float32), S)   # only deep rows' tokens count
    denom = jnp.maximum(tok_w.sum(), 1.0)
    lse = jax.nn.logsumexp(rl, axis=-1)
    z_loss = (tok_w * lse ** 2).sum() / denom
    top1 = jax.nn.one_hot(jnp.argmax(probs, axis=-1), E)
    f = (tok_w[:, None] * top1).sum(0) / denom
    p = (tok_w[:, None] * probs).sum(0) / denom
    aux_loss = E * (f * p).sum()

    # ---- ReasoningLoop (fixed-step halting) ----
    z_reason = _ln(moe_out.mean(axis=1) @ proj_W + proj_b, ln_proj_g, ln_proj_b)
    ctx = z_seq
    z_cur = z_reason
    halted = jnp.zeros((B,), bool)
    conf = jnp.zeros((B,), jnp.float32)
    for _ in range(MAX_STEPS):
        hstep = jnp.tanh(z_cur @ Wz + ctx @ Wc + bz)
        c = jax.nn.sigmoid(hstep @ wconf + bconf)
        z_cur = jnp.where(halted[:, None], z_cur, hstep)
        conf = jnp.where(halted, conf, c)
        halted = halted | (c > REASON_TH)

    deep_out = _ln(moe_out + z_cur[:, None, :], norm_g, norm_b)
    final = jnp.where(deep_mask[:, None, None], deep_out, shallow)

    any_deep = deep_mask.any()
    z_loss = jnp.where(any_deep, z_loss, 0.0)
    aux_loss = jnp.where(any_deep, aux_loss, 0.0)
    confidence = jnp.where(deep_mask, conf, 0.0)

    logits = final @ embed_W.T                           # tied head
    return logits, z_loss, aux_loss, confidence

if __name__ == "__main__":
    import jax
    _d = setup_inputs()
    print(jax.jit(kernel)(*tuple(_d.values())))

</pallas_src>

<mosaic_0001>
#map = affine_map<(d0, d1) -> (0, 0)>
#map1 = affine_map<(d0, d1) -> (0)>
module attributes {stable_mosaic.version = 14 : i64} {
  func.func @_gather_body(%arg0: i32, %arg1: i32, %arg2: memref<16000x1024xf32, #tpu.memory_space<hbm>>, %arg3: memref<2048xi32, #tpu.memory_space<hbm>>, %arg4: memref<2048x1024xf32, #tpu.memory_space<hbm>>, %arg5: memref<64xi32, #tpu.memory_space<vmem>>, %arg6: memref<64x1024xf32, #tpu.memory_space<vmem>>, %arg7: memref<!tpu.dma_semaphore, #tpu.memory_space<semaphore_mem>>) attributes {dimension_semantics = [#tpu.dimension_semantics<core_parallel>, #tpu.dimension_semantics<subcore_parallel>], iteration_bounds = array<i64: 2, 16>, scalar_prefetch = 0 : i64, scratch_operands = 3 : i64, tpu.core_type = #tpu.core_type<sc_vector_subcore>, window_params = [{transform_indices = #map}, {transform_indices = #map1}, {transform_indices = #map}]} {
    %mul3A = arith.constant 2 : i32
    %mul3A_0 = arith.muli %arg1, %mul3A : i32
    %add3A = arith.addi %mul3A_0, %arg0 : i32
    %mul3A_1 = arith.constant 64 : i32
    %mul3A_2 = arith.muli %add3A, %mul3A_1 : i32
    "tpu.region"() ({
      %run_scoped3A = tpu.sem_alloc : memref<!tpu.dma_semaphore, #tpu.memory_space<semaphore_mem>>
      %dma_start3A_7 = tpu.memref_slice %arg3[%mul3A_2] : memref<2048xi32, #tpu.memory_space<hbm>> -> memref<64xi32, #tpu.memory_space<hbm>>
      %dma_start3A_8 = tpu.memref_slice %arg3[%mul3A_2] : memref<2048xi32, #tpu.memory_space<hbm>> -> memref<64xi32, #tpu.memory_space<hbm>>
      tpu.enqueue_dma source(%dma_start3A_8 : memref<64xi32, #tpu.memory_space<hbm>>) target(%arg5 : memref<64xi32, #tpu.memory_space<vmem>>) target_semaphore(%run_scoped3A : memref<!tpu.dma_semaphore, #tpu.memory_space<semaphore_mem>>)
      %dma_wait3A_9 = tpu.memref_slice %arg3[%mul3A_2] : memref<2048xi32, #tpu.memory_space<hbm>> -> memref<64xi32, #tpu.memory_space<hbm>>
      %dma_wait3A_10 = tpu.memref_slice %arg3[%mul3A_2] : memref<2048xi32, #tpu.memory_space<hbm>> -> memref<64xi32, #tpu.memory_space<hbm>>
      tpu.wait_dma2 semaphore(%run_scoped3A : memref<!tpu.dma_semaphore, #tpu.memory_space<semaphore_mem>>) src(%dma_wait3A_10 : memref<64xi32, #tpu.memory_space<hbm>>) dst(%arg5 : memref<64xi32, #tpu.memory_space<vmem>>)
      tpu.yield
    }) : () -> ()
    %dma_start3A = arith.constant 0 : i32
    %dma_start3A_3 = arith.constant 0 : i32
    %dma_start3A_4 = tpu.memref_slice %arg2[%dma_start3A, %dma_start3A_3] : memref<16000x1024xf32, #tpu.memory_space<hbm>> -> memref<16000x1024xf32, #tpu.memory_space<hbm>>
    tpu.enqueue_indirect_dma source(%dma_start3A_4 : memref<16000x1024xf32, #tpu.memory_space<hbm>>) target(%arg6 : memref<64x1024xf32, #tpu.memory_space<vmem>>) offsets(%arg5 : memref<64xi32, #tpu.memory_space<vmem>>) semaphore(%arg7 : memref<!tpu.dma_semaphore, #tpu.memory_space<semaphore_mem>>)
    %dma_wait3A = arith.constant 0 : i32
    %dma_wait3A_5 = arith.constant 0 : i32
    %dma_wait3A_6 = tpu.memref_slice %arg2[%dma_wait3A, %dma_wait3A_5] : memref<16000x1024xf32, #tpu.memory_space<hbm>> -> memref<16000x1024xf32, #tpu.memory_space<hbm>>
    tpu.wait_indirect_dma semaphore(%arg7 : memref<!tpu.dma_semaphore, #tpu.memory_space<semaphore_mem>>) src(%dma_wait3A_6 : memref<16000x1024xf32, #tpu.memory_space<hbm>>) dst(%arg6 : memref<64x1024xf32, #tpu.memory_space<vmem>>)
    "tpu.region"() ({
      %run_scoped3A = tpu.sem_alloc : memref<!tpu.dma_semaphore, #tpu.memory_space<semaphore_mem>>
      %dma_start3A_7 = arith.constant 0 : i32
      %dma_start3A_8 = tpu.memref_slice %arg4[%mul3A_2, %dma_start3A_7] : memref<2048x1024xf32, #tpu.memory_space<hbm>> -> memref<64x1024xf32, #tpu.memory_space<hbm>>
      %dma_start3A_9 = arith.constant 0 : i32
      %dma_start3A_10 = tpu.memref_slice %arg4[%mul3A_2, %dma_start3A_9] : memref<2048x1024xf32, #tpu.memory_space<hbm>> -> memref<64x1024xf32, #tpu.memory_space<hbm>>
      tpu.enqueue_dma source(%arg6 : memref<64x1024xf32, #tpu.memory_space<vmem>>) target(%dma_start3A_10 : memref<64x1024xf32, #tpu.memory_space<hbm>>) target_semaphore(%run_scoped3A : memref<!tpu.dma_semaphore, #tpu.memory_space<semaphore_mem>>)
      %dma_wait3A_11 = arith.constant 0 : i32
      %dma_wait3A_12 = tpu.memref_slice %arg4[%mul3A_2, %dma_wait3A_11] : memref<2048x1024xf32, #tpu.memory_space<hbm>> -> memref<64x1024xf32, #tpu.memory_space<hbm>>
      %dma_wait3A_13 = arith.constant 0 : i32
      %dma_wait3A_14 = tpu.memref_slice %arg4[%mul3A_2, %dma_wait3A_13] : memref<2048x1024xf32, #tpu.memory_space<hbm>> -> memref<64x1024xf32, #tpu.memory_space<hbm>>
      tpu.wait_dma2 semaphore(%run_scoped3A : memref<!tpu.dma_semaphore, #tpu.memory_space<semaphore_mem>>) src(%arg6 : memref<64x1024xf32, #tpu.memory_space<vmem>>) dst(%dma_wait3A_14 : memref<64x1024xf32, #tpu.memory_space<hbm>>)
      tpu.yield
    }) : () -> ()
    return
  }
}

module attributes {stable_mosaic.version = 14 : i64} {
  func.func @_moe_body(%arg0: i32, %arg1: memref<2048x1024xf32, #tpu.memory_space<vmem>>, %arg2: memref<1024x8xf32, #tpu.memory_space<vmem>>, %arg3: memref<1024x64xf32, #tpu.memory_space<vmem>>, %arg4: memref<1024x64xf32, #tpu.memory_space<vmem>>, %arg5: memref<1x1024xf32, #tpu.memory_space<vmem>>, %arg6: memref<1x1024xf32, #tpu.memory_space<vmem>>, %arg7: memref<1x1024x1024xf32, #tpu.memory_space<vmem>>, %arg8: memref<1x1024x1024xf32, #tpu.memory_space<vmem>>, %arg9: memref<17x128xf32, #tpu.memory_space<vmem>>, %arg10: memref<1x1024xf32, #tpu.memory_space<vmem>>, %arg11: memref<1x128xf32, #tpu.memory_space<vmem>>, %arg12: memref<2048x1024xbf16, #tpu.memory_space<vmem>>, %arg13: memref<2048x1024xf32, #tpu.memory_space<vmem>>, %arg14: memref<1x1024xf32, #tpu.memory_space<vmem>>, %arg15: memref<2048x8xf32, #tpu.memory_space<vmem>>) attributes {dimension_semantics = [#tpu.dimension_semantics<arbitrary>], iteration_bounds = array<i64: 8>, scalar_prefetch = 0 : i64, scratch_operands = 1 : i64, tpu.core_type = #tpu.core_type<tc>, window_params = [{pipeline_mode = #tpu.pipeline_mode<synchronous>, transform_indices = @transform_0, window_bounds = array<i64: 2048, 1024>}, {pipeline_mode = #tpu.pipeline_mode<synchronous>, transform_indices = @transform_1, window_bounds = array<i64: 1024, 8>}, {pipeline_mode = #tpu.pipeline_mode<synchronous>, transform_indices = @transform_2, window_bounds = array<i64: 1024, 64>}, {pipeline_mode = #tpu.pipeline_mode<synchronous>, transform_indices = @transform_3, window_bounds = array<i64: 1024, 64>}, {pipeline_mode = #tpu.pipeline_mode<synchronous>, transform_indices = @transform_4, window_bounds = array<i64: 1, 1024>}, {pipeline_mode = #tpu.pipeline_mode<synchronous>, transform_indices = @transform_5, window_bounds = array<i64: 1, 1024>}, {transform_indices = @transform_6, window_bounds = array<i64: 1, 1024, 1024>}, {transform_indices = @transform_7, window_bounds = array<i64: 1, 1024, 1024>}, {pipeline_mode = #tpu.pipeline_mode<synchronous>, transform_indices = @transform_8, window_bounds = array<i64: 17, 128>}, {pipeline_mode = #tpu.pipeline_mode<synchronous>, transform_indices = @transform_9, window_bounds = array<i64: 1, 1024>}, {pipeline_mode = #tpu.pipeline_mode<synchronous>, transform_indices = @transform_10, window_bounds = array<i64: 1, 128>}, {pipeline_mode = #tpu.pipeline_mode<synchronous>, transform_indices = @transform_11, window_bounds = array<i64: 2048, 1024>}, {pipeline_mode = #tpu.pipeline_mode<synchronous>, transform_indices = @transform_12, window_bounds = array<i64: 2048, 1024>}, {pipeline_mode = #tpu.pipeline_mode<synchronous>, transform_indices = @transform_13, window_bounds = array<i64: 1, 1024>}]} {
    %eq3A = arith.constant 0 : i32
    %eq3A_0 = arith.cmpi eq, %arg0, %eq3A : i32
    %convert_element_type3A = arith.extui %eq3A_0 : i1 to i32
    %cond3A = arith.constant 0 : i32
    %cond3A_1 = arith.cmpi ne, %convert_element_type3A, %cond3A : i32
    scf.if %cond3A_1 {
      %get3A_45 = arith.constant 0 : index
      %get3A_46 = arith.constant 0 : index
      %get3A_47 = vector.load %arg1[%get3A_45, %get3A_46] : memref<2048x1024xf32, #tpu.memory_space<vmem>>, vector<2048x1024xf32>
      %reduce_sum3A_48 = arith.constant dense<0.000000e+00> : vector<2048xf32>
      %reduce_sum3A_49 = vector.multi_reduction <add>, %get3A_47, %reduce_sum3A_48 [1] : vector<2048x1024xf32> to vector<2048xf32>
      %broadcast_in_dim3A_50 = vector.shape_cast %reduce_sum3A_49 : vector<2048xf32> to vector<2048x1xf32>
      %div3A = arith.constant 1.024000e+03 : f32
      %div3A_51 = vector.broadcast %div3A : f32 to vector<2048x1xf32>
      %div3A_52 = arith.divf %broadcast_in_dim3A_50, %div3A_51 : vector<2048x1xf32>
      %sub3A = vector.broadcast %div3A_52 : vector<2048x1xf32> to vector<2048x1024xf32>
      %sub3A_53 = arith.subf %get3A_47, %sub3A : vector<2048x1024xf32>
      %integer_pow3A = arith.mulf %sub3A_53, %sub3A_53 : vector<2048x1024xf32>
      %reduce_sum3A_54 = arith.constant dense<0.000000e+00> : vector<2048xf32>
      %reduce_sum3A_55 = vector.multi_reduction <add>, %integer_pow3A, %reduce_sum3A_54 [1] : vector<2048x1024xf32> to vector<2048xf32>
      %broadcast_in_dim3A_56 = vector.shape_cast %reduce_sum3A_55 : vector<2048xf32> to vector<2048x1xf32>
      %div3A_57 = arith.constant 1.024000e+03 : f32
      %div3A_58 = vector.broadcast %div3A_57 : f32 to vector<2048x1xf32>
      %div3A_59 = arith.divf %broadcast_in_dim3A_56, %div3A_58 : vector<2048x1xf32>
      %sub3A_60 = vector.broadcast %div3A_52 : vector<2048x1xf32> to vector<2048x1024xf32>
      %sub3A_61 = arith.subf %get3A_47, %sub3A_60 : vector<2048x1024xf32>
      %add3A = arith.constant 9.99999974E-6 : f32
      %add3A_62 = vector.broadcast %add3A : f32 to vector<2048x1xf32>
      %add3A_63 = arith.addf %div3A_59, %add3A_62 : vector<2048x1xf32>
      %sqrt3A = math.sqrt %add3A_63 : vector<2048x1xf32>
      %div3A_64 = vector.broadcast %sqrt3A : vector<2048x1xf32> to vector<2048x1024xf32>
      %div3A_65 = arith.divf %sub3A_61, %div3A_64 : vector<2048x1024xf32>
      %get3A_66 = arith.constant 0 : index
      %get3A_67 = arith.constant 0 : index
      %get3A_68 = vector.load %arg5[%get3A_66, %get3A_67] : memref<1x1024xf32, #tpu.memory_space<vmem>>, vector<1x1024xf32>
      %mul3A_69 = vector.broadcast %get3A_68 : vector<1x1024xf32> to vector<2048x1024xf32>
      %mul3A_70 = arith.mulf %div3A_65, %mul3A_69 : vector<2048x1024xf32>
      %get3A_71 = arith.constant 0 : index
      %get3A_72 = arith.constant 0 : index
      %get3A_73 = vector.load %arg6[%get3A_71, %get3A_72] : memref<1x1024xf32, #tpu.memory_space<vmem>>, vector<1x1024xf32>
      %add3A_74 = vector.broadcast %get3A_73 : vector<1x1024xf32> to vector<2048x1024xf32>
      %add3A_75 = arith.addf %mul3A_70, %add3A_74 : vector<2048x1024xf32>
      %convert_element_type3A_76 = arith.truncf %add3A_75 : vector<2048x1024xf32> to vector<2048x1024xbf16>
      %swap3A = arith.constant 0 : index
      %swap3A_77 = arith.constant 0 : index
      %swap3A_78 = vector.load %arg12[%swap3A, %swap3A_77] : memref<2048x1024xbf16, #tpu.memory_space<vmem>>, vector<2048x1024xbf16>
      tpu.vector_store %arg12[%swap3A, %swap3A_77], %convert_element_type3A_76 {strides = array<i32>} : memref<2048x1024xbf16, #tpu.memory_space<vmem>>, vector<2048x1024xbf16>,
      %get3A_79 = arith.constant 0 : index
      %get3A_80 = arith.constant 0 : index
      %get3A_81 = vector.load %arg2[%get3A_79, %get3A_80] : memref<1024x8xf32, #tpu.memory_space<vmem>>, vector<1024x8xf32>
      %dot_general3A_82 = arith.constant dense<0.000000e+00> : vector<2048x8xf32>
      %dot_general3A_83 = tpu.matmul %get3A_47, %get3A_81, %dot_general3A_82 {dimension_numbers = #tpu.dot_dimension_numbers<[1], [0], [0], [1], [0, 0, 1, 1], [], []>, transpose_lhs_hint = false} : vector<2048x1024xf32>, vector<1024x8xf32>, vector<2048x8xf32> -> vector<2048x8xf32>
      %reduce_max3A = arith.constant dense<0xFF800000> : vector<2048xf32>
      %reduce_max3A_84 = vector.multi_reduction <maximumf>, %dot_general3A_83, %reduce_max3A [1] : vector<2048x8xf32> to vector<2048xf32>
      %broadcast_in_dim3A_85 = vector.shape_cast %reduce_max3A_84 : vector<2048xf32> to vector<2048x1xf32>
      %sub3A_86 = vector.broadcast %broadcast_in_dim3A_85 : vector<2048x1xf32> to vector<2048x8xf32>
      %sub3A_87 = arith.subf %dot_general3A_83, %sub3A_86 : vector<2048x8xf32>
      %exp3A = math.exp %sub3A_87 : vector<2048x8xf32>
      %reduce_sum3A_88 = arith.constant dense<0.000000e+00> : vector<2048xf32>
      %reduce_sum3A_89 = vector.multi_reduction <add>, %exp3A, %reduce_sum3A_88 [1] : vector<2048x8xf32> to vector<2048xf32>
      %broadcast_in_dim3A_90 = vector.shape_cast %reduce_sum3A_89 : vector<2048xf32> to vector<2048x1xf32>
      %div3A_91 = vector.broadcast %broadcast_in_dim3A_90 : vector<2048x1xf32> to vector<2048x8xf32>
      %div3A_92 = arith.divf %exp3A, %div3A_91 : vector<2048x8xf32>
      %squeeze3A = vector.shape_cast %broadcast_in_dim3A_85 : vector<2048x1xf32> to vector<2048xf32>
      %squeeze3A_93 = vector.shape_cast %broadcast_in_dim3A_90 : vector<2048x1xf32> to vector<2048xf32>
      %log3A = math.log %squeeze3A_93 : vector<2048xf32>
      %add3A_94 = arith.addf %squeeze3A, %log3A : vector<2048xf32>
      %iota3A_95 = tpu.iota {dimensions = array<i32: 1>} : vector<2048x8xi32>
      %reduce_max3A_96 = arith.constant dense<0xFF800000> : vector<2048xf32>
      %reduce_max3A_97 = vector.multi_reduction <maximumf>, %div3A_92, %reduce_max3A_96 [1] : vector<2048x8xf32> to vector<2048xf32>
      %broadcast_in_dim3A_98 = vector.shape_cast %reduce_max3A_97 : vector<2048xf32> to vector<2048x1xf32>
      %eq3A_99 = vector.broadcast %broadcast_in_dim3A_98 : vector<2048x1xf32> to vector<2048x8xf32>
      %eq3A_100 = arith.cmpf oeq, %div3A_92, %eq3A_99 : vector<2048x8xf32>
      %jit3A_101 = arith.constant 8 : i32
      %broadcast_in_dim3A_102 = vector.broadcast %jit3A_101 : i32 to vector<2048x8xi32>
      %select_n3A_103 = arith.select %eq3A_100, %iota3A_95, %broadcast_in_dim3A_102 : vector<2048x8xi1>, vector<2048x8xi32>
      %reduce_min3A = arith.constant dense<2147483647> : vector<2048xi32>
      %reduce_min3A_104 = vector.multi_reduction <minsi>, %select_n3A_103, %reduce_min3A [1] : vector<2048x8xi32> to vector<2048xi32>
      %broadcast_in_dim3A_105 = vector.shape_cast %reduce_min3A_104 : vector<2048xi32> to vector<2048x1xi32>
      %eq3A_106 = vector.broadcast %broadcast_in_dim3A_105 : vector<2048x1xi32> to vector<2048x8xi32>
      %eq3A_107 = arith.cmpi eq, %iota3A_95, %eq3A_106 : vector<2048x8xi32>
      %jit3A_108 = arith.constant 0xFF800000 : f32
      %broadcast_in_dim3A_109 = vector.broadcast %jit3A_108 : f32 to vector<2048x8xf32>
      %select_n3A_110 = arith.select %eq3A_107, %broadcast_in_dim3A_109, %div3A_92 : vector<2048x8xi1>, vector<2048x8xf32>
      %reduce_max3A_111 = arith.constant dense<0xFF800000> : vector<2048xf32>
      %reduce_max3A_112 = vector.multi_reduction <maximumf>, %select_n3A_110, %reduce_max3A_111 [1] : vector<2048x8xf32> to vector<2048xf32>
      %broadcast_in_dim3A_113 = vector.shape_cast %reduce_max3A_112 : vector<2048xf32> to vector<2048x1xf32>
      %eq3A_114 = vector.broadcast %broadcast_in_dim3A_113 : vector<2048x1xf32> to vector<2048x8xf32>
      %eq3A_115 = arith.cmpf oeq, %select_n3A_110, %eq3A_114 : vector<2048x8xf32>
      %jit3A_116 = arith.constant 8 : i32
      %broadcast_in_dim3A_117 = vector.broadcast %jit3A_116 : i32 to vector<2048x8xi32>
      %select_n3A_118 = arith.select %eq3A_115, %iota3A_95, %broadcast_in_dim3A_117 : vector<2048x8xi1>, vector<2048x8xi32>
      %reduce_min3A_119 = arith.constant dense<2147483647> : vector<2048xi32>
      %reduce_min3A_120 = vector.multi_reduction <minsi>, %select_n3A_118, %reduce_min3A_119 [1] : vector<2048x8xi32> to vector<2048xi32>
      %broadcast_in_dim3A_121 = vector.shape_cast %reduce_min3A_120 : vector<2048xi32> to vector<2048x1xi32>
      %eq3A_122 = vector.broadcast %broadcast_in_dim3A_121 : vector<2048x1xi32> to vector<2048x8xi32>
      %eq3A_123 = arith.cmpi eq, %iota3A_95, %eq3A_122 : vector<2048x8xi32>
      %add3A_124 = arith.addf %reduce_max3A_97, %reduce_max3A_112 : vector<2048xf32>
      %add3A_125 = arith.constant 9.99999971E-10 : f32
      %add3A_126 = vector.broadcast %add3A_125 : f32 to vector<2048xf32>
      %add3A_127 = arith.addf %add3A_124, %add3A_126 : vector<2048xf32>
      %div3A_128 = arith.divf %reduce_max3A_97, %add3A_127 : vector<2048xf32>
      %broadcast_in_dim3A_129 = vector.shape_cast %div3A_128 : vector<2048xf32> to vector<2048x1xf32>
      %jit3A_130 = arith.constant 0.000000e+00 : f32
      %broadcast_in_dim3A_131 = vector.shape_cast %broadcast_in_dim3A_129 : vector<2048x1xf32> to vector<2048x1xf32>
      %broadcast_in_dim3A_132 = vector.broadcast %broadcast_in_dim3A_131 : vector<2048x1xf32> to vector<2048x8xf32>
      %broadcast_in_dim3A_133 = vector.broadcast %jit3A_130 : f32 to vector<2048x8xf32>
      %select_n3A_134 = arith.select %eq3A_107, %broadcast_in_dim3A_132, %broadcast_in_dim3A_133 : vector<2048x8xi1>, vector<2048x8xf32>
      %div3A_135 = arith.divf %reduce_max3A_112, %add3A_127 : vector<2048xf32>
      %broadcast_in_dim3A_136 = vector.shape_cast %div3A_135 : vector<2048xf32> to vector<2048x1xf32>
      %jit3A_137 = arith.constant 0.000000e+00 : f32
      %broadcast_in_dim3A_138 = vector.shape_cast %broadcast_in_dim3A_136 : vector<2048x1xf32> to vector<2048x1xf32>
      %broadcast_in_dim3A_139 = vector.broadcast %broadcast_in_dim3A_138 : vector<2048x1xf32> to vector<2048x8xf32>
      %broadcast_in_dim3A_140 = vector.broadcast %jit3A_137 : f32 to vector<2048x8xf32>
      %select_n3A_141 = arith.select %eq3A_123, %broadcast_in_dim3A_139, %broadcast_in_dim3A_140 : vector<2048x8xi1>, vector<2048x8xf32>
      %add3A_142 = arith.addf %select_n3A_134, %select_n3A_141 : vector<2048x8xf32>
      %swap3A_143 = arith.constant 0 : index
      %swap3A_144 = arith.constant 0 : index
      %swap3A_145 = vector.load %arg15[%swap3A_143, %swap3A_144] : memref<2048x8xf32, #tpu.memory_space<vmem>>, vector<2048x8xf32>
      tpu.vector_store %arg15[%swap3A_143, %swap3A_144], %add3A_142 {strides = array<i32>} : memref<2048x8xf32, #tpu.memory_space<vmem>>, vector<2048x8xf32>,
      %broadcast_in_dim3A_146 = arith.constant 0.000000e+00 : f32
      %broadcast_in_dim3A_147 = vector.broadcast %broadcast_in_dim3A_146 : f32 to vector<8x128xf32>
      %broadcast_in_dim3A_148 = arith.constant 0.000000e+00 : f32
      %broadcast_in_dim3A_149 = vector.broadcast %broadcast_in_dim3A_148 : f32 to vector<1x128xf32>
      %mul3A_150 = arith.mulf %add3A_94, %add3A_94 : vector<2048xf32>
      %reduce_sum3A_151 = vector.shape_cast %mul3A_150 : vector<2048xf32> to vector<1x2048xf32>
      %reduce_sum3A_152 = arith.constant dense<0.000000e+00> : vector<1xf32>
      %reduce_sum3A_153 = vector.multi_reduction <add>, %reduce_sum3A_151, %reduce_sum3A_152 [1] : vector<1x2048xf32> to vector<1xf32>
      %reduce_sum3A_154 = vector.shape_cast %reduce_sum3A_153 : vector<1xf32> to vector<1x1xf32>
      %reduce_sum3A_155 = vector.extract %reduce_sum3A_154[0, 0] : f32 from vector<1x1xf32>
      %add3A_156 = vector.broadcast %reduce_sum3A_155 : f32 to vector<1x128xf32>
      %add3A_157 = arith.addf %broadcast_in_dim3A_149, %add3A_156 : vector<1x128xf32>
      %swap3A_158 = arith.constant 0 : index
      %swap3A_159 = arith.constant 0 : index
      %swap3A_160 = vector.load %arg9[%swap3A_158, %swap3A_159] : memref<17x128xf32, #tpu.memory_space<vmem>>, vector<1x128xf32>
      tpu.vector_store %arg9[%swap3A_158, %swap3A_159], %add3A_157 {strides = array<i32>} : memref<17x128xf32, #tpu.memory_space<vmem>>, vector<1x128xf32>,
      %convert_element_type3A_161 = arith.extui %eq3A_107 : vector<2048x8xi1> to vector<2048x8xi32>
      %convert_element_type3A_162 = arith.sitofp %convert_element_type3A_161 : vector<2048x8xi32> to vector<2048x8xf32>
      %reduce_sum3A_163 = arith.constant dense<0.000000e+00> : vector<8xf32>
      %reduce_sum3A_164 = vector.multi_reduction <add>, %convert_element_type3A_162, %reduce_sum3A_163 [0] : vector<2048x8xf32> to vector<8xf32>
      %broadcast_in_dim3A_165 = vector.shape_cast %reduce_sum3A_164 : vector<8xf32> to vector<8x1xf32>
      %add3A_166 = vector.broadcast %broadcast_in_dim3A_165 : vector<8x1xf32> to vector<8x128xf32>
      %add3A_167 = arith.addf %broadcast_in_dim3A_147, %add3A_166 : vector<8x128xf32>
      %swap3A_168 = arith.constant 1 : index
      %swap3A_169 = arith.constant 0 : index
      %swap3A_170 = vector.load %arg9[%swap3A_168, %swap3A_169] : memref<17x128xf32, #tpu.memory_space<vmem>>, vector<8x128xf32>
      tpu.vector_store %arg9[%swap3A_168, %swap3A_169], %add3A_167 {strides = array<i32>} : memref<17x128xf32, #tpu.memory_space<vmem>>, vector<8x128xf32>,
      %reduce_sum3A_171 = arith.constant dense<0.000000e+00> : vector<8xf32>
      %reduce_sum3A_172 = vector.multi_reduction <add>, %div3A_92, %reduce_sum3A_171 [0] : vector<2048x8xf32> to vector<8xf32>
      %broadcast_in_dim3A_173 = vector.shape_cast %reduce_sum3A_172 : vector<8xf32> to vector<8x1xf32>
      %add3A_174 = vector.broadcast %broadcast_in_dim3A_173 : vector<8x1xf32> to vector<8x128xf32>
      %add3A_175 = arith.addf %broadcast_in_dim3A_147, %add3A_174 : vector<8x128xf32>
      %swap3A_176 = arith.constant 9 : index
      %swap3A_177 = arith.constant 0 : index
      %swap3A_178 = vector.load %arg9[%swap3A_176, %swap3A_177] : memref<17x128xf32, #tpu.memory_space<vmem>>, vector<8x128xf32>
      tpu.vector_store %arg9[%swap3A_176, %swap3A_177], %add3A_175 {strides = array<i32>} : memref<17x128xf32, #tpu.memory_space<vmem>>, vector<8x128xf32>,
      %reduce_sum3A_179 = arith.constant dense<0.000000e+00> : vector<1024xf32>
      %reduce_sum3A_180 = vector.multi_reduction <add>, %get3A_47, %reduce_sum3A_179 [0] : vector<2048x1024xf32> to vector<1024xf32>
      %broadcast_in_dim3A_181 = vector.shape_cast %reduce_sum3A_180 : vector<1024xf32> to vector<1x1024xf32>
      %swap3A_182 = arith.constant 0 : index
      %swap3A_183 = arith.constant 0 : index
      %swap3A_184 = vector.load %arg10[%swap3A_182, %swap3A_183] : memref<1x1024xf32, #tpu.memory_space<vmem>>, vector<1x1024xf32>
      tpu.vector_store %arg10[%swap3A_182, %swap3A_183], %broadcast_in_dim3A_181 {strides = array<i32>} : memref<1x1024xf32, #tpu.memory_space<vmem>>, vector<1x1024xf32>,
      %div3A_185 = arith.constant 2.048000e+03 : f32
      %div3A_186 = vector.broadcast %div3A_185 : f32 to vector<1x1024xf32>
      %div3A_187 = arith.divf %broadcast_in_dim3A_181, %div3A_186 : vector<1x1024xf32>
      %get3A_188 = arith.constant 0 : index
      %get3A_189 = arith.constant 0 : index
      %get3A_190 = vector.load %arg3[%get3A_188, %get3A_189] : memref<1024x64xf32, #tpu.memory_space<vmem>>, vector<1024x64xf32>
      %dot_general3A_191 = arith.constant dense<0.000000e+00> : vector<1x64xf32>
      %dot_general3A_192 = tpu.matmul %div3A_187, %get3A_190, %dot_general3A_191 {dimension_numbers = #tpu.dot_dimension_numbers<[1], [0], [0], [1], [0, 0, 1, 1], [], []>, transpose_lhs_hint = false} : vector<1x1024xf32>, vector<1024x64xf32>, vector<1x64xf32> -> vector<1x64xf32>
      %mul3A_193 = arith.mulf %dot_general3A_192, %dot_general3A_192 : vector<1x64xf32>
      %reduce_sum3A_194 = vector.shape_cast %mul3A_193 : vector<1x64xf32> to vector<1x1x64xf32>
      %reduce_sum3A_195 = arith.constant dense<0.000000e+00> : vector<1xf32>
      %reduce_sum3A_196 = vector.multi_reduction <add>, %reduce_sum3A_194, %reduce_sum3A_195 [1, 2] : vector<1x1x64xf32> to vector<1xf32>
      %reduce_sum3A_197 = vector.shape_cast %reduce_sum3A_196 : vector<1xf32> to vector<1x1x1xf32>
      %reduce_sum3A_198 = vector.extract %reduce_sum3A_197[0, 0, 0] : f32 from vector<1x1x1xf32>
      %sqrt3A_199 = math.sqrt %reduce_sum3A_198 : f32
      %add3A_200 = arith.constant 9.99999993E-9 : f32
      %add3A_201 = arith.addf %sqrt3A_199, %add3A_200 : f32
      %div3A_202 = vector.broadcast %add3A_201 : f32 to vector<1x64xf32>
      %div3A_203 = arith.divf %dot_general3A_192, %div3A_202 : vector<1x64xf32>
      %get3A_204 = arith.constant 0 : index
      %get3A_205 = arith.constant 0 : index
      %get3A_206 = vector.load %arg4[%get3A_204, %get3A_205] : memref<1024x64xf32, #tpu.memory_space<vmem>>, vector<1024x64xf32>
      %mul3A_207 = arith.mulf %get3A_206, %get3A_206 : vector<1024x64xf32>
      %reduce_sum3A_208 = arith.constant dense<0.000000e+00> : vector<1024xf32>
      %reduce_sum3A_209 = vector.multi_reduction <add>, %mul3A_207, %reduce_sum3A_208 [1] : vector<1024x64xf32> to vector<1024xf32>
      %broadcast_in_dim3A_210 = vector.shape_cast %reduce_sum3A_209 : vector<1024xf32> to vector<1024x1xf32>
      %sqrt3A_211 = math.sqrt %broadcast_in_dim3A_210 : vector<1024x1xf32>
      %add3A_212 = arith.constant 9.99999993E-9 : f32
      %add3A_213 = vector.broadcast %add3A_212 : f32 to vector<1024x1xf32>
      %add3A_214 = arith.addf %sqrt3A_211, %add3A_213 : vector<1024x1xf32>
      %div3A_215 = vector.broadcast %add3A_214 : vector<1024x1xf32> to vector<1024x64xf32>
      %div3A_216 = arith.divf %get3A_206, %div3A_215 : vector<1024x64xf32>
      %dot_general3A_217 = arith.constant dense<0.000000e+00> : vector<1x1024xf32>
      %dot_general3A_218 = tpu.matmul %div3A_203, %div3A_216, %dot_general3A_217 {dimension_numbers = #tpu.dot_dimension_numbers<[1], [1], [0], [0], [0, 0, 1, 0], [], []>, transpose_lhs_hint = false} : vector<1x64xf32>, vector<1024x64xf32>, vector<1x1024xf32> -> vector<1x1024xf32>
      %reduce_max3A_219 = vector.shape_cast %dot_general3A_218 : vector<1x1024xf32> to vector<1x1x1024xf32>
      %reduce_max3A_220 = arith.constant dense<0xFF800000> : vector<1xf32>
      %reduce_max3A_221 = vector.multi_reduction <maximumf>, %reduce_max3A_219, %reduce_max3A_220 [1, 2] : vector<1x1x1024xf32> to vector<1xf32>
      %reduce_max3A_222 = vector.shape_cast %reduce_max3A_221 : vector<1xf32> to vector<1x1x1xf32>
      %reduce_max3A_223 = vector.extract %reduce_max3A_222[0, 0, 0] : f32 from vector<1x1x1xf32>
      %sub3A_224 = arith.constant 1.000000e+00 : f32
      %sub3A_225 = arith.subf %sub3A_224, %reduce_max3A_223 : f32
      %gt3A_226 = arith.constant 5.000000e-01 : f32
      %gt3A_227 = arith.cmpf ogt, %sub3A_225, %gt3A_226 : f32
      %jit3A_228 = arith.constant 1.000000e+00 : f32
      %jit3A_229 = arith.constant 0.000000e+00 : f32
      %select_n3A_230 = arith.select %gt3A_227, %jit3A_228, %jit3A_229 : f32
      %broadcast_in_dim3A_231 = arith.constant 0.000000e+00 : f32
      %broadcast_in_dim3A_232 = vector.broadcast %broadcast_in_dim3A_231 : f32 to vector<1x128xf32>
      %add3A_233 = vector.broadcast %select_n3A_230 : f32 to vector<1x128xf32>
      %add3A_234 = arith.addf %broadcast_in_dim3A_232, %add3A_233 : vector<1x128xf32>
      %swap3A_235 = arith.constant 0 : index
      %swap3A_236 = arith.constant 0 : index
      %swap3A_237 = vector.load %arg11[%swap3A_235, %swap3A_236] : memref<1x128xf32, #tpu.memory_space<vmem>>, vector<1x128xf32>
      tpu.vector_store %arg11[%swap3A_235, %swap3A_236], %add3A_234 {strides = array<i32>} : memref<1x128xf32, #tpu.memory_space<vmem>>, vector<1x128xf32>,
    } else {
    }
    %get3A = arith.constant 0 : index
    %get3A_2 = arith.constant 0 : index
    %get3A_3 = vector.load %arg1[%get3A, %get3A_2] : memref<2048x1024xf32, #tpu.memory_space<vmem>>, vector<2048x1024xf32>
    %convert_element_type3A_4 = arith.truncf %get3A_3 : vector<2048x1024xf32> to vector<2048x1024xbf16>
    %get3A_5 = arith.constant 0 : index
    %get3A_6 = arith.constant 0 : index
    %get3A_7 = arith.constant 0 : index
    %get3A_8 = vector.load %arg7[%get3A_5, %get3A_6, %get3A_7] : memref<1x1024x1024xf32, #tpu.memory_space<vmem>>, vector<1x1024x1024xf32>
    %get3A_9 = vector.shape_cast %get3A_8 : vector<1x1024x1024xf32> to vector<1024x1024xf32>
    %convert_element_type3A_10 = arith.truncf %get3A_9 : vector<1024x1024xf32> to vector<1024x1024xbf16>
    %dot_general3A = arith.constant dense<0.000000e+00> : vector<2048x1024xf32>
    %dot_general3A_11 = tpu.matmul %convert_element_type3A_4, %convert_element_type3A_10, %dot_general3A {dimension_numbers = #tpu.dot_dimension_numbers<[1], [0], [0], [1], [0, 0, 1, 1], [], []>, transpose_lhs_hint = false} : vector<2048x1024xbf16>, vector<1024x1024xbf16>, vector<2048x1024xf32> -> vector<2048x1024xf32>
    %max3A = arith.constant 0.000000e+00 : f32
    %max3A_12 = vector.broadcast %max3A : f32 to vector<2048x1024xf32>
    %max3A_13 = arith.maximumf %dot_general3A_11, %max3A_12 : vector<2048x1024xf32>
    %convert_element_type3A_14 = arith.truncf %max3A_13 : vector<2048x1024xf32> to vector<2048x1024xbf16>
    %get3A_15 = arith.constant 0 : index
    %get3A_16 = arith.constant 0 : index
    %get3A_17 = arith.constant 0 : index
    %get3A_18 = vector.load %arg8[%get3A_15, %get3A_16, %get3A_17] : memref<1x1024x1024xf32, #tpu.memory_space<vmem>>, vector<1x1024x1024xf32>
    %get3A_19 = vector.shape_cast %get3A_18 : vector<1x1024x1024xf32> to vector<1024x1024xf32>
    %convert_element_type3A_20 = arith.truncf %get3A_19 : vector<1024x1024xf32> to vector<1024x1024xbf16>
    %dot_general3A_21 = arith.constant dense<0.000000e+00> : vector<2048x1024xf32>
    %dot_general3A_22 = tpu.matmul %convert_element_type3A_14, %convert_element_type3A_20, %dot_general3A_21 {dimension_numbers = #tpu.dot_dimension_numbers<[1], [0], [0], [1], [0, 0, 1, 1], [], []>, transpose_lhs_hint = false} : vector<2048x1024xbf16>, vector<1024x1024xbf16>, vector<2048x1024xf32> -> vector<2048x1024xf32>
    %iota3A = tpu.iota {dimensions = array<i32: 1>} : vector<2048x8xi32>
    %eq3A_23 = vector.broadcast %arg0 : i32 to vector<2048x8xi32>
    %eq3A_24 = arith.cmpi eq, %iota3A, %eq3A_23 : vector<2048x8xi32>
    %get3A_25 = arith.constant 0 : index
    %get3A_26 = arith.constant 0 : index
    %get3A_27 = vector.load %arg15[%get3A_25, %get3A_26] : memref<2048x8xf32, #tpu.memory_space<vmem>>, vector<2048x8xf32>
    %jit3A = arith.constant 0.000000e+00 : f32
    %broadcast_in_dim3A = vector.broadcast %jit3A : f32 to vector<2048x8xf32>
    %select_n3A = arith.select %eq3A_24, %get3A_27, %broadcast_in_dim3A : vector<2048x8xi1>, vector<2048x8xf32>
    %reduce_sum3A = arith.constant dense<0.000000e+00> : vector<2048xf32>
    %reduce_sum3A_28 = vector.multi_reduction <add>, %select_n3A, %reduce_sum3A [1] : vector<2048x8xf32> to vector<2048xf32>
    %broadcast_in_dim3A_29 = vector.shape_cast %reduce_sum3A_28 : vector<2048xf32> to vector<2048x1xf32>
    %mul3A = vector.broadcast %broadcast_in_dim3A_29 : vector<2048x1xf32> to vector<2048x1024xf32>
    %mul3A_30 = arith.mulf %dot_general3A_22, %mul3A : vector<2048x1024xf32>
    %eq3A_31 = arith.constant 0 : i32
    %eq3A_32 = arith.cmpi eq, %arg0, %eq3A_31 : i32
    %convert_element_type3A_33 = arith.extui %eq3A_32 : i1 to i32
    %cond3A_34 = arith.constant 0 : i32
    %cond3A_35 = arith.cmpi ne, %convert_element_type3A_33, %cond3A_34 : i32
    scf.if %cond3A_35 {
      %swap3A = arith.constant 0 : index
      %swap3A_45 = arith.constant 0 : index
      %swap3A_46 = vector.load %arg13[%swap3A, %swap3A_45] : memref<2048x1024xf32, #tpu.memory_space<vmem>>, vector<2048x1024xf32>
      tpu.vector_store %arg13[%swap3A, %swap3A_45], %mul3A_30 {strides = array<i32>} : memref<2048x1024xf32, #tpu.memory_space<vmem>>, vector<2048x1024xf32>,
    } else {
    }
    %gt3A = arith.constant 0 : i32
    %gt3A_36 = arith.cmpi sgt, %arg0, %gt3A : i32
    %convert_element_type3A_37 = arith.extui %gt3A_36 : i1 to i32
    %cond3A_38 = arith.constant 0 : i32
    %cond3A_39 = arith.cmpi ne, %convert_element_type3A_37, %cond3A_38 : i32
    scf.if %cond3A_39 {
      %get3A_45 = arith.constant 0 : index
      %get3A_46 = arith.constant 0 : index
      %get3A_47 = vector.load %arg13[%get3A_45, %get3A_46] : memref<2048x1024xf32, #tpu.memory_space<vmem>>, vector<2048x1024xf32>
      %add3A = arith.addf %get3A_47, %mul3A_30 : vector<2048x1024xf32>
      %swap3A = arith.constant 0 : index
      %swap3A_48 = arith.constant 0 : index
      %swap3A_49 = vector.load %arg13[%swap3A, %swap3A_48] : memref<2048x1024xf32, #tpu.memory_space<vmem>>, vector<2048x1024xf32>
      tpu.vector_store %arg13[%swap3A, %swap3A_48], %add3A {strides = array<i32>} : memref<2048x1024xf32, #tpu.memory_space<vmem>>, vector<2048x1024xf32>,
    } else {
    }
    %eq3A_40 = arith.constant 7 : i32
    %eq3A_41 = arith.cmpi eq, %arg0, %eq3A_40 : i32
    %convert_element_type3A_42 = arith.extui %eq3A_41 : i1 to i32
    %cond3A_43 = arith.constant 0 : i32
    %cond3A_44 = arith.cmpi ne, %convert_element_type3A_42, %cond3A_43 : i32
    scf.if %cond3A_44 {
      %get3A_45 = arith.constant 0 : index
      %get3A_46 = arith.constant 0 : index
      %get3A_47 = vector.load %arg13[%get3A_45, %get3A_46] : memref<2048x1024xf32, #tpu.memory_space<vmem>>, vector<2048x1024xf32>
      %reduce_sum3A_48 = arith.constant dense<0.000000e+00> : vector<1024xf32>
      %reduce_sum3A_49 = vector.multi_reduction <add>, %get3A_47, %reduce_sum3A_48 [0] : vector<2048x1024xf32> to vector<1024xf32>
      %broadcast_in_dim3A_50 = vector.shape_cast %reduce_sum3A_49 : vector<1024xf32> to vector<1x1024xf32>
      %swap3A = arith.constant 0 : index
      %swap3A_51 = arith.constant 0 : index
      %swap3A_52 = vector.load %arg14[%swap3A, %swap3A_51] : memref<1x1024xf32, #tpu.memory_space<vmem>>, vector<1x1024xf32>
      tpu.vector_store %arg14[%swap3A, %swap3A_51], %broadcast_in_dim3A_50 {strides = array<i32>} : memref<1x1024xf32, #tpu.memory_space<vmem>>, vector<1x1024xf32>,
    } else {
    }
    return
  }
  func.func @transform_0(%arg0: i32) -> (i32, i32) {
    %c0_i32 = arith.constant 0 : i32
    %c0_i32_0 = arith.constant 0 : i32
    %c0_i32_1 = arith.constant 0 : i32
    return %c0_i32, %c0_i32_0 : i32, i32
  }
  func.func @transform_1(%arg0: i32) -> (i32, i32) {
    %c0_i32 = arith.constant 0 : i32
    %c0_i32_0 = arith.constant 0 : i32
    %c0_i32_1 = arith.constant 0 : i32
    return %c0_i32, %c0_i32_0 : i32, i32
  }
  func.func @transform_2(%arg0: i32) -> (i32, i32) {
    %c0_i32 = arith.constant 0 : i32
    %c0_i32_0 = arith.constant 0 : i32
    %c0_i32_1 = arith.constant 0 : i32
    return %c0_i32, %c0_i32_0 : i32, i32
  }
  func.func @transform_3(%arg0: i32) -> (i32, i32) {
    %c0_i32 = arith.constant 0 : i32
    %c0_i32_0 = arith.constant 0 : i32
    %c0_i32_1 = arith.constant 0 : i32
    return %c0_i32, %c0_i32_0 : i32, i32
  }
  func.func @transform_4(%arg0: i32) -> (i32, i32) {
    %c0_i32 = arith.constant 0 : i32
    %c0_i32_0 = arith.constant 0 : i32
    %c0_i32_1 = arith.constant 0 : i32
    return %c0_i32, %c0_i32_0 : i32, i32
  }
  func.func @transform_5(%arg0: i32) -> (i32, i32) {
    %c0_i32 = arith.constant 0 : i32
    %c0_i32_0 = arith.constant 0 : i32
    %c0_i32_1 = arith.constant 0 : i32
    return %c0_i32, %c0_i32_0 : i32, i32
  }
  func.func @transform_6(%arg0: i32) -> (i32, i32, i32) {
    %c0_i32 = arith.constant 0 : i32
    %c0_i32_0 = arith.constant 0 : i32
    %c0_i32_1 = arith.constant 0 : i32
    return %arg0, %c0_i32, %c0_i32_0 : i32, i32, i32
  }
  func.func @transform_7(%arg0: i32) -> (i32, i32, i32) {
    %c0_i32 = arith.constant 0 : i32
    %c0_i32_0 = arith.constant 0 : i32
    %c0_i32_1 = arith.constant 0 : i32
    return %arg0, %c0_i32, %c0_i32_0 : i32, i32, i32
  }
  func.func @transform_8(%arg0: i32) -> (i32, i32) {
    %c0_i32 = arith.constant 0 : i32
    %c0_i32_0 = arith.constant 0 : i32
    %c0_i32_1 = arith.constant 0 : i32
    return %c0_i32, %c0_i32_0 : i32, i32
  }
  func.func @transform_9(%arg0: i32) -> (i32, i32) {
    %c0_i32 = arith.constant 0 : i32
    %c0_i32_0 = arith.constant 0 : i32
    %c0_i32_1 = arith.constant 0 : i32
    return %c0_i32, %c0_i32_0 : i32, i32
  }
  func.func @transform_10(%arg0: i32) -> (i32, i32) {
    %c0_i32 = arith.constant 0 : i32
    %c0_i32_0 = arith.constant 0 : i32
    %c0_i32_1 = arith.constant 0 : i32
    return %c0_i32, %c0_i32_0 : i32, i32
  }
  func.func @transform_11(%arg0: i32) -> (i32, i32) {
    %c0_i32 = arith.constant 0 : i32
    %c0_i32_0 = arith.constant 0 : i32
    %c0_i32_1 = arith.constant 0 : i32
    return %c0_i32, %c0_i32_0 : i32, i32
  }
  func.func @transform_12(%arg0: i32) -> (i32, i32) {
    %c0_i32 = arith.constant 0 : i32
    %c0_i32_0 = arith.constant 0 : i32
    %c0_i32_1 = arith.constant 0 : i32
    return %c0_i32, %c0_i32_0 : i32, i32
  }
  func.func @transform_13(%arg0: i32) -> (i32, i32) {
    %c0_i32 = arith.constant 0 : i32
    %c0_i32_0 = arith.constant 0 : i32
    %c0_i32_1 = arith.constant 0 : i32
    return %c0_i32, %c0_i32_0 : i32, i32
  }
}

module attributes {stable_mosaic.version = 14 : i64} {
  func.func @_logits_body(%arg0: i32, %arg1: memref<2048x1024xbf16, #tpu.memory_space<vmem>>, %arg2: memref<2048x1024xf32, #tpu.memory_space<vmem>>, %arg3: memref<1x1024xf32, #tpu.memory_space<vmem>>, %arg4: memref<1x1024xf32, #tpu.memory_space<vmem>>, %arg5: memref<1024x1024xbf16, #tpu.memory_space<vmem>>, %arg6: memref<1x1024xf32, #tpu.memory_space<vmem>>, %arg7: memref<1x1024xf32, #tpu.memory_space<vmem>>, %arg8: memref<1x1024xf32, #tpu.memory_space<vmem>>, %arg9: memref<1024x1024xbf16, #tpu.memory_space<vmem>>, %arg10: memref<1024x1024xbf16, #tpu.memory_space<vmem>>, %arg11: memref<1x1024xf32, #tpu.memory_space<vmem>>, %arg12: memref<1x1024xf32, #tpu.memory_space<vmem>>, %arg13: memref<1x1xf32, #tpu.memory_space<vmem>>, %arg14: memref<1x128xf32, #tpu.memory_space<vmem>>, %arg15: memref<1x1024xf32, #tpu.memory_space<vmem>>, %arg16: memref<1x1024xf32, #tpu.memory_space<vmem>>, %arg17: memref<512x1024xf32, #tpu.memory_space<vmem>>, %arg18: memref<2048x512xf32, #tpu.memory_space<vmem>>, %arg19: memref<1x128xf32, #tpu.memory_space<vmem>>, %arg20: memref<2048x1024xbf16, #tpu.memory_space<vmem>>) attributes {dimension_semantics = [#tpu.dimension_semantics<arbitrary>], iteration_bounds = array<i64: 32>, scalar_prefetch = 0 : i64, scratch_operands = 1 : i64, tpu.core_type = #tpu.core_type<tc>, window_params = [{pipeline_mode = #tpu.pipeline_mode<synchronous>, transform_indices = @transform_0, window_bounds = array<i64: 2048, 1024>}, {pipeline_mode = #tpu.pipeline_mode<synchronous>, transform_indices = @transform_1, window_bounds = array<i64: 2048, 1024>}, {pipeline_mode = #tpu.pipeline_mode<synchronous>, transform_indices = @transform_2, window_bounds = array<i64: 1, 1024>}, {pipeline_mode = #tpu.pipeline_mode<synchronous>, transform_indices = @transform_3, window_bounds = array<i64: 1, 1024>}, {pipeline_mode = #tpu.pipeline_mode<synchronous>, transform_indices = @transform_4, window_bounds = array<i64: 1024, 1024>}, {pipeline_mode = #tpu.pipeline_mode<synchronous>, transform_indices = @transform_5, window_bounds = array<i64: 1, 1024>}, {pipeline_mode = #tpu.pipeline_mode<synchronous>, transform_indices = @transform_6, window_bounds = array<i64: 1, 1024>}, {pipeline_mode = #tpu.pipeline_mode<synchronous>, transform_indices = @transform_7, window_bounds = array<i64: 1, 1024>}, {pipeline_mode = #tpu.pipeline_mode<synchronous>, transform_indices = @transform_8, window_bounds = array<i64: 1024, 1024>}, {pipeline_mode = #tpu.pipeline_mode<synchronous>, transform_indices = @transform_9, window_bounds = array<i64: 1024, 1024>}, {pipeline_mode = #tpu.pipeline_mode<synchronous>, transform_indices = @transform_10, window_bounds = array<i64: 1, 1024>}, {pipeline_mode = #tpu.pipeline_mode<synchronous>, transform_indices = @transform_11, window_bounds = array<i64: 1, 1024>}, {pipeline_mode = #tpu.pipeline_mode<synchronous>, transform_indices = @transform_12, window_bounds = array<i64: 1, 1>}, {pipeline_mode = #tpu.pipeline_mode<synchronous>, transform_indices = @transform_13, window_bounds = array<i64: 1, 128>}, {pipeline_mode = #tpu.pipeline_mode<synchronous>, transform_indices = @transform_14, window_bounds = array<i64: 1, 1024>}, {pipeline_mode = #tpu.pipeline_mode<synchronous>, transform_indices = @transform_15, window_bounds = array<i64: 1, 1024>}, {transform_indices = @transform_16, window_bounds = array<i64: 512, 1024>}, {transform_indices = @transform_17, window_bounds = array<i64: 2048, 512>}, {pipeline_mode = #tpu.pipeline_mode<synchronous>, transform_indices = @transform_18, window_bounds = array<i64: 1, 128>}]} {
    %eq3A = arith.constant 0 : i32
    %eq3A_0 = arith.cmpi eq, %arg0, %eq3A : i32
    %convert_element_type3A = arith.extui %eq3A_0 : i1 to i32
    %cond3A = arith.constant 0 : i32
    %cond3A_1 = arith.cmpi ne, %convert_element_type3A, %cond3A : i32
    scf.if %cond3A_1 {
      %get3A_11 = arith.constant 0 : index
      %get3A_12 = arith.constant 0 : index
      %get3A_13 = vector.load %arg3[%get3A_11, %get3A_12] : memref<1x1024xf32, #tpu.memory_space<vmem>>, vector<1x1024xf32>
      %div3A = arith.constant 2.048000e+03 : f32
      %div3A_14 = vector.broadcast %div3A : f32 to vector<1x1024xf32>
      %div3A_15 = arith.divf %get3A_13, %div3A_14 : vector<1x1024xf32>
      %convert_element_type3A_16 = arith.truncf %div3A_15 : vector<1x1024xf32> to vector<1x1024xbf16>
      %get3A_17 = arith.constant 0 : index
      %get3A_18 = arith.constant 0 : index
      %get3A_19 = vector.load %arg5[%get3A_17, %get3A_18] : memref<1024x1024xbf16, #tpu.memory_space<vmem>>, vector<1024x1024xbf16>
      %dot_general3A_20 = arith.constant dense<0.000000e+00> : vector<1x1024xf32>
      %dot_general3A_21 = tpu.matmul %convert_element_type3A_16, %get3A_19, %dot_general3A_20 {dimension_numbers = #tpu.dot_dimension_numbers<[1], [0], [0], [1], [0, 0, 1, 1], [], []>, transpose_lhs_hint = false} : vector<1x1024xbf16>, vector<1024x1024xbf16>, vector<1x1024xf32> -> vector<1x1024xf32>
      %get3A_22 = arith.constant 0 : index
      %get3A_23 = arith.constant 0 : index
      %get3A_24 = vector.load %arg6[%get3A_22, %get3A_23] : memref<1x1024xf32, #tpu.memory_space<vmem>>, vector<1x1024xf32>
      %add3A = arith.addf %dot_general3A_21, %get3A_24 : vector<1x1024xf32>
      %reduce_sum3A = vector.shape_cast %add3A : vector<1x1024xf32> to vector<1x1x1024xf32>
      %reduce_sum3A_25 = arith.constant dense<0.000000e+00> : vector<1xf32>
      %reduce_sum3A_26 = vector.multi_reduction <add>, %reduce_sum3A, %reduce_sum3A_25 [1, 2] : vector<1x1x1024xf32> to vector<1xf32>
      %reduce_sum3A_27 = vector.shape_cast %reduce_sum3A_26 : vector<1xf32> to vector<1x1x1xf32>
      %reduce_sum3A_28 = vector.extract %reduce_sum3A_27[0, 0, 0] : f32 from vector<1x1x1xf32>
      %div3A_29 = arith.constant 1.024000e+03 : f32
      %div3A_30 = arith.divf %reduce_sum3A_28, %div3A_29 : f32
      %sub3A = vector.broadcast %div3A_30 : f32 to vector<1x1024xf32>
      %sub3A_31 = arith.subf %add3A, %sub3A : vector<1x1024xf32>
      %integer_pow3A = arith.mulf %sub3A_31, %sub3A_31 : vector<1x1024xf32>
      %reduce_sum3A_32 = vector.shape_cast %integer_pow3A : vector<1x1024xf32> to vector<1x1x1024xf32>
      %reduce_sum3A_33 = arith.constant dense<0.000000e+00> : vector<1xf32>
      %reduce_sum3A_34 = vector.multi_reduction <add>, %reduce_sum3A_32, %reduce_sum3A_33 [1, 2] : vector<1x1x1024xf32> to vector<1xf32>
      %reduce_sum3A_35 = vector.shape_cast %reduce_sum3A_34 : vector<1xf32> to vector<1x1x1xf32>
      %reduce_sum3A_36 = vector.extract %reduce_sum3A_35[0, 0, 0] : f32 from vector<1x1x1xf32>
      %div3A_37 = arith.constant 1.024000e+03 : f32
      %div3A_38 = arith.divf %reduce_sum3A_36, %div3A_37 : f32
      %sub3A_39 = vector.broadcast %div3A_30 : f32 to vector<1x1024xf32>
      %sub3A_40 = arith.subf %add3A, %sub3A_39 : vector<1x1024xf32>
      %add3A_41 = arith.constant 9.99999974E-6 : f32
      %add3A_42 = arith.addf %div3A_38, %add3A_41 : f32
      %sqrt3A = math.sqrt %add3A_42 : f32
      %div3A_43 = vector.broadcast %sqrt3A : f32 to vector<1x1024xf32>
      %div3A_44 = arith.divf %sub3A_40, %div3A_43 : vector<1x1024xf32>
      %get3A_45 = arith.constant 0 : index
      %get3A_46 = arith.constant 0 : index
      %get3A_47 = vector.load %arg7[%get3A_45, %get3A_46] : memref<1x1024xf32, #tpu.memory_space<vmem>>, vector<1x1024xf32>
      %mul3A = arith.mulf %div3A_44, %get3A_47 : vector<1x1024xf32>
      %get3A_48 = arith.constant 0 : index
      %get3A_49 = arith.constant 0 : index
      %get3A_50 = vector.load %arg8[%get3A_48, %get3A_49] : memref<1x1024xf32, #tpu.memory_space<vmem>>, vector<1x1024xf32>
      %add3A_51 = arith.addf %mul3A, %get3A_50 : vector<1x1024xf32>
      %get3A_52 = arith.constant 0 : index
      %get3A_53 = arith.constant 0 : index
      %get3A_54 = vector.load %arg4[%get3A_52, %get3A_53] : memref<1x1024xf32, #tpu.memory_space<vmem>>, vector<1x1024xf32>
      %div3A_55 = arith.constant 2.048000e+03 : f32
      %div3A_56 = vector.broadcast %div3A_55 : f32 to vector<1x1024xf32>
      %div3A_57 = arith.divf %get3A_54, %div3A_56 : vector<1x1024xf32>
      %convert_element_type3A_58 = arith.truncf %div3A_57 : vector<1x1024xf32> to vector<1x1024xbf16>
      %get3A_59 = arith.constant 0 : index
      %get3A_60 = arith.constant 0 : index
      %get3A_61 = vector.load %arg10[%get3A_59, %get3A_60] : memref<1024x1024xbf16, #tpu.memory_space<vmem>>, vector<1024x1024xbf16>
      %dot_general3A_62 = arith.constant dense<0.000000e+00> : vector<1x1024xf32>
      %dot_general3A_63 = tpu.matmul %convert_element_type3A_58, %get3A_61, %dot_general3A_62 {dimension_numbers = #tpu.dot_dimension_numbers<[1], [0], [0], [1], [0, 0, 1, 1], [], []>, transpose_lhs_hint = false} : vector<1x1024xbf16>, vector<1024x1024xbf16>, vector<1x1024xf32> -> vector<1x1024xf32>
      %get3A_64 = arith.constant 0 : index
      %get3A_65 = arith.constant 0 : index
      %get3A_66 = vector.load %arg11[%get3A_64, %get3A_65] : memref<1x1024xf32, #tpu.memory_space<vmem>>, vector<1x1024xf32>
      %add3A_67 = arith.addf %dot_general3A_63, %get3A_66 : vector<1x1024xf32>
      %convert_element_type3A_68 = arith.truncf %add3A_51 : vector<1x1024xf32> to vector<1x1024xbf16>
      %get3A_69 = arith.constant 0 : index
      %get3A_70 = arith.constant 0 : index
      %get3A_71 = vector.load %arg9[%get3A_69, %get3A_70] : memref<1024x1024xbf16, #tpu.memory_space<vmem>>, vector<1024x1024xbf16>
      %dot_general3A_72 = arith.constant dense<0.000000e+00> : vector<1x1024xf32>
      %dot_general3A_73 = tpu.matmul %convert_element_type3A_68, %get3A_71, %dot_general3A_72 {dimension_numbers = #tpu.dot_dimension_numbers<[1], [0], [0], [1], [0, 0, 1, 1], [], []>, transpose_lhs_hint = false} : vector<1x1024xbf16>, vector<1024x1024xbf16>, vector<1x1024xf32> -> vector<1x1024xf32>
      %add3A_74 = arith.addf %dot_general3A_73, %add3A_67 : vector<1x1024xf32>
      %tanh3A = math.tanh %add3A_74 : vector<1x1024xf32>
      %get3A_75 = arith.constant 0 : index
      %get3A_76 = arith.constant 0 : index
      %get3A_77 = vector.load %arg12[%get3A_75, %get3A_76] : memref<1x1024xf32, #tpu.memory_space<vmem>>, vector<1x1024xf32>
      %mul3A_78 = arith.mulf %tanh3A, %get3A_77 : vector<1x1024xf32>
      %reduce_sum3A_79 = vector.shape_cast %mul3A_78 : vector<1x1024xf32> to vector<1x1x1024xf32>
      %reduce_sum3A_80 = arith.constant dense<0.000000e+00> : vector<1xf32>
      %reduce_sum3A_81 = vector.multi_reduction <add>, %reduce_sum3A_79, %reduce_sum3A_80 [1, 2] : vector<1x1x1024xf32> to vector<1xf32>
      %reduce_sum3A_82 = vector.shape_cast %reduce_sum3A_81 : vector<1xf32> to vector<1x1x1xf32>
      %reduce_sum3A_83 = vector.extract %reduce_sum3A_82[0, 0, 0] : f32 from vector<1x1x1xf32>
      %get3A_84 = arith.constant 0 : index
      %get3A_85 = arith.constant 0 : index
      %get3A_86 = vector.load %arg13[%get3A_84, %get3A_85] : memref<1x1xf32, #tpu.memory_space<vmem>>, vector<1x1xf32>
      %get3A_87 = vector.extract %get3A_86[0, 0] : f32 from vector<1x1xf32>
      %add3A_88 = arith.addf %reduce_sum3A_83, %get3A_87 : f32
      %logistic3A = arith.negf %add3A_88 : f32
      %logistic3A_89 = math.exp %logistic3A : f32
      %logistic3A_90 = arith.constant 1.000000e+00 : f32
      %logistic3A_91 = arith.addf %logistic3A_90, %logistic3A_89 : f32
      %logistic3A_92 = arith.divf %logistic3A_90, %logistic3A_91 : f32
      %jit3A = arith.constant false
      %select_n3A = arith.select %jit3A, %add3A_51, %tanh3A : vector<1x1024xf32>
      %jit3A_93 = arith.constant false
      %jit3A_94 = arith.constant 0.000000e+00 : f32
      %select_n3A_95 = arith.select %jit3A_93, %jit3A_94, %logistic3A_92 : f32
      %gt3A = arith.constant 0.899999976 : f32
      %gt3A_96 = arith.cmpf ogt, %logistic3A_92, %gt3A : f32
      %or3A = arith.constant false
      %or3A_97 = arith.ori %or3A, %gt3A_96 : i1
      %convert_element_type3A_98 = arith.truncf %select_n3A : vector<1x1024xf32> to vector<1x1024xbf16>
      %get3A_99 = arith.constant 0 : index
      %get3A_100 = arith.constant 0 : index
      %get3A_101 = vector.load %arg9[%get3A_99, %get3A_100] : memref<1024x1024xbf16, #tpu.memory_space<vmem>>, vector<1024x1024xbf16>
      %dot_general3A_102 = arith.constant dense<0.000000e+00> : vector<1x1024xf32>
      %dot_general3A_103 = tpu.matmul %convert_element_type3A_98, %get3A_101, %dot_general3A_102 {dimension_numbers = #tpu.dot_dimension_numbers<[1], [0], [0], [1], [0, 0, 1, 1], [], []>, transpose_lhs_hint = false} : vector<1x1024xbf16>, vector<1024x1024xbf16>, vector<1x1024xf32> -> vector<1x1024xf32>
      %add3A_104 = arith.addf %dot_general3A_103, %add3A_67 : vector<1x1024xf32>
      %tanh3A_105 = math.tanh %add3A_104 : vector<1x1024xf32>
      %get3A_106 = arith.constant 0 : index
      %get3A_107 = arith.constant 0 : index
      %get3A_108 = vector.load %arg12[%get3A_106, %get3A_107] : memref<1x1024xf32, #tpu.memory_space<vmem>>, vector<1x1024xf32>
      %mul3A_109 = arith.mulf %tanh3A_105, %get3A_108 : vector<1x1024xf32>
      %reduce_sum3A_110 = vector.shape_cast %mul3A_109 : vector<1x1024xf32> to vector<1x1x1024xf32>
      %reduce_sum3A_111 = arith.constant dense<0.000000e+00> : vector<1xf32>
      %reduce_sum3A_112 = vector.multi_reduction <add>, %reduce_sum3A_110, %reduce_sum3A_111 [1, 2] : vector<1x1x1024xf32> to vector<1xf32>
      %reduce_sum3A_113 = vector.shape_cast %reduce_sum3A_112 : vector<1xf32> to vector<1x1x1xf32>
      %reduce_sum3A_114 = vector.extract %reduce_sum3A_113[0, 0, 0] : f32 from vector<1x1x1xf32>
      %get3A_115 = arith.constant 0 : index
      %get3A_116 = arith.constant 0 : index
      %get3A_117 = vector.load %arg13[%get3A_115, %get3A_116] : memref<1x1xf32, #tpu.memory_space<vmem>>, vector<1x1xf32>
      %get3A_118 = vector.extract %get3A_117[0, 0] : f32 from vector<1x1xf32>
      %add3A_119 = arith.addf %reduce_sum3A_114, %get3A_118 : f32
      %logistic3A_120 = arith.negf %add3A_119 : f32
      %logistic3A_121 = math.exp %logistic3A_120 : f32
      %logistic3A_122 = arith.constant 1.000000e+00 : f32
      %logistic3A_123 = arith.addf %logistic3A_122, %logistic3A_121 : f32
      %logistic3A_124 = arith.divf %logistic3A_122, %logistic3A_123 : f32
      %select_n3A_125 = arith.select %or3A_97, %select_n3A, %tanh3A_105 : vector<1x1024xf32>
      %select_n3A_126 = arith.select %or3A_97, %select_n3A_95, %logistic3A_124 : f32
      %gt3A_127 = arith.constant 0.899999976 : f32
      %gt3A_128 = arith.cmpf ogt, %logistic3A_124, %gt3A_127 : f32
      %or3A_129 = arith.ori %or3A_97, %gt3A_128 : i1
      %convert_element_type3A_130 = arith.truncf %select_n3A_125 : vector<1x1024xf32> to vector<1x1024xbf16>
      %get3A_131 = arith.constant 0 : index
      %get3A_132 = arith.constant 0 : index
      %get3A_133 = vector.load %arg9[%get3A_131, %get3A_132] : memref<1024x1024xbf16, #tpu.memory_space<vmem>>, vector<1024x1024xbf16>
      %dot_general3A_134 = arith.constant dense<0.000000e+00> : vector<1x1024xf32>
      %dot_general3A_135 = tpu.matmul %convert_element_type3A_130, %get3A_133, %dot_general3A_134 {dimension_numbers = #tpu.dot_dimension_numbers<[1], [0], [0], [1], [0, 0, 1, 1], [], []>, transpose_lhs_hint = false} : vector<1x1024xbf16>, vector<1024x1024xbf16>, vector<1x1024xf32> -> vector<1x1024xf32>
      %add3A_136 = arith.addf %dot_general3A_135, %add3A_67 : vector<1x1024xf32>
      %tanh3A_137 = math.tanh %add3A_136 : vector<1x1024xf32>
      %get3A_138 = arith.constant 0 : index
      %get3A_139 = arith.constant 0 : index
      %get3A_140 = vector.load %arg12[%get3A_138, %get3A_139] : memref<1x1024xf32, #tpu.memory_space<vmem>>, vector<1x1024xf32>
      %mul3A_141 = arith.mulf %tanh3A_137, %get3A_140 : vector<1x1024xf32>
      %reduce_sum3A_142 = vector.shape_cast %mul3A_141 : vector<1x1024xf32> to vector<1x1x1024xf32>
      %reduce_sum3A_143 = arith.constant dense<0.000000e+00> : vector<1xf32>
      %reduce_sum3A_144 = vector.multi_reduction <add>, %reduce_sum3A_142, %reduce_sum3A_143 [1, 2] : vector<1x1x1024xf32> to vector<1xf32>
      %reduce_sum3A_145 = vector.shape_cast %reduce_sum3A_144 : vector<1xf32> to vector<1x1x1xf32>
      %reduce_sum3A_146 = vector.extract %reduce_sum3A_145[0, 0, 0] : f32 from vector<1x1x1xf32>
      %get3A_147 = arith.constant 0 : index
      %get3A_148 = arith.constant 0 : index
      %get3A_149 = vector.load %arg13[%get3A_147, %get3A_148] : memref<1x1xf32, #tpu.memory_space<vmem>>, vector<1x1xf32>
      %get3A_150 = vector.extract %get3A_149[0, 0] : f32 from vector<1x1xf32>
      %add3A_151 = arith.addf %reduce_sum3A_146, %get3A_150 : f32
      %logistic3A_152 = arith.negf %add3A_151 : f32
      %logistic3A_153 = math.exp %logistic3A_152 : f32
      %logistic3A_154 = arith.constant 1.000000e+00 : f32
      %logistic3A_155 = arith.addf %logistic3A_154, %logistic3A_153 : f32
      %logistic3A_156 = arith.divf %logistic3A_154, %logistic3A_155 : f32
      %select_n3A_157 = arith.select %or3A_129, %select_n3A_125, %tanh3A_137 : vector<1x1024xf32>
      %select_n3A_158 = arith.select %or3A_129, %select_n3A_126, %logistic3A_156 : f32
      %gt3A_159 = arith.constant 0.899999976 : f32
      %gt3A_160 = arith.cmpf ogt, %logistic3A_156, %gt3A_159 : f32
      %or3A_161 = arith.ori %or3A_129, %gt3A_160 : i1
      %convert_element_type3A_162 = arith.truncf %select_n3A_157 : vector<1x1024xf32> to vector<1x1024xbf16>
      %get3A_163 = arith.constant 0 : index
      %get3A_164 = arith.constant 0 : index
      %get3A_165 = vector.load %arg9[%get3A_163, %get3A_164] : memref<1024x1024xbf16, #tpu.memory_space<vmem>>, vector<1024x1024xbf16>
      %dot_general3A_166 = arith.constant dense<0.000000e+00> : vector<1x1024xf32>
      %dot_general3A_167 = tpu.matmul %convert_element_type3A_162, %get3A_165, %dot_general3A_166 {dimension_numbers = #tpu.dot_dimension_numbers<[1], [0], [0], [1], [0, 0, 1, 1], [], []>, transpose_lhs_hint = false} : vector<1x1024xbf16>, vector<1024x1024xbf16>, vector<1x1024xf32> -> vector<1x1024xf32>
      %add3A_168 = arith.addf %dot_general3A_167, %add3A_67 : vector<1x1024xf32>
      %tanh3A_169 = math.tanh %add3A_168 : vector<1x1024xf32>
      %get3A_170 = arith.constant 0 : index
      %get3A_171 = arith.constant 0 : index
      %get3A_172 = vector.load %arg12[%get3A_170, %get3A_171] : memref<1x1024xf32, #tpu.memory_space<vmem>>, vector<1x1024xf32>
      %mul3A_173 = arith.mulf %tanh3A_169, %get3A_172 : vector<1x1024xf32>
      %reduce_sum3A_174 = vector.shape_cast %mul3A_173 : vector<1x1024xf32> to vector<1x1x1024xf32>
      %reduce_sum3A_175 = arith.constant dense<0.000000e+00> : vector<1xf32>
      %reduce_sum3A_176 = vector.multi_reduction <add>, %reduce_sum3A_174, %reduce_sum3A_175 [1, 2] : vector<1x1x1024xf32> to vector<1xf32>
      %reduce_sum3A_177 = vector.shape_cast %reduce_sum3A_176 : vector<1xf32> to vector<1x1x1xf32>
      %reduce_sum3A_178 = vector.extract %reduce_sum3A_177[0, 0, 0] : f32 from vector<1x1x1xf32>
      %get3A_179 = arith.constant 0 : index
      %get3A_180 = arith.constant 0 : index
      %get3A_181 = vector.load %arg13[%get3A_179, %get3A_180] : memref<1x1xf32, #tpu.memory_space<vmem>>, vector<1x1xf32>
      %get3A_182 = vector.extract %get3A_181[0, 0] : f32 from vector<1x1xf32>
      %add3A_183 = arith.addf %reduce_sum3A_178, %get3A_182 : f32
      %logistic3A_184 = arith.negf %add3A_183 : f32
      %logistic3A_185 = math.exp %logistic3A_184 : f32
      %logistic3A_186 = arith.constant 1.000000e+00 : f32
      %logistic3A_187 = arith.addf %logistic3A_186, %logistic3A_185 : f32
      %logistic3A_188 = arith.divf %logistic3A_186, %logistic3A_187 : f32
      %select_n3A_189 = arith.select %or3A_161, %select_n3A_157, %tanh3A_169 : vector<1x1024xf32>
      %select_n3A_190 = arith.select %or3A_161, %select_n3A_158, %logistic3A_188 : f32
      %broadcast_in_dim3A = arith.constant 0.000000e+00 : f32
      %broadcast_in_dim3A_191 = vector.broadcast %broadcast_in_dim3A : f32 to vector<1x128xf32>
      %add3A_192 = vector.broadcast %select_n3A_190 : f32 to vector<1x128xf32>
      %add3A_193 = arith.addf %broadcast_in_dim3A_191, %add3A_192 : vector<1x128xf32>
      %swap3A_194 = arith.constant 0 : index
      %swap3A_195 = arith.constant 0 : index
      %swap3A_196 = vector.load %arg19[%swap3A_194, %swap3A_195] : memref<1x128xf32, #tpu.memory_space<vmem>>, vector<1x128xf32>
      tpu.vector_store %arg19[%swap3A_194, %swap3A_195], %add3A_193 {strides = array<i32>} : memref<1x128xf32, #tpu.memory_space<vmem>>, vector<1x128xf32>,
      %get3A_197 = arith.constant 0 : index
      %get3A_198 = arith.constant 0 : index
      %get3A_199 = vector.load %arg15[%get3A_197, %get3A_198] : memref<1x1024xf32, #tpu.memory_space<vmem>>, vector<1x1024xf32>
      %get3A_200 = arith.constant 0 : index
      %get3A_201 = arith.constant 0 : index
      %get3A_202 = vector.load %arg16[%get3A_200, %get3A_201] : memref<1x1024xf32, #tpu.memory_space<vmem>>, vector<1x1024xf32>
      %get3A_203 = arith.constant 0 : index
      %get3A_204 = arith.constant 0 : index
      %get3A_205 = vector.load %arg2[%get3A_203, %get3A_204] : memref<2048x1024xf32, #tpu.memory_space<vmem>>, vector<2048x1024xf32>
      %add3A_206 = vector.broadcast %select_n3A_189 : vector<1x1024xf32> to vector<2048x1024xf32>
      %add3A_207 = arith.addf %get3A_205, %add3A_206 : vector<2048x1024xf32>
      %reduce_sum3A_208 = arith.constant dense<0.000000e+00> : vector<2048xf32>
      %reduce_sum3A_209 = vector.multi_reduction <add>, %add3A_207, %reduce_sum3A_208 [1] : vector<2048x1024xf32> to vector<2048xf32>
      %broadcast_in_dim3A_210 = vector.shape_cast %reduce_sum3A_209 : vector<2048xf32> to vector<2048x1xf32>
      %div3A_211 = arith.constant 1.024000e+03 : f32
      %div3A_212 = vector.broadcast %div3A_211 : f32 to vector<2048x1xf32>
      %div3A_213 = arith.divf %broadcast_in_dim3A_210, %div3A_212 : vector<2048x1xf32>
      %sub3A_214 = vector.broadcast %div3A_213 : vector<2048x1xf32> to vector<2048x1024xf32>
      %sub3A_215 = arith.subf %add3A_207, %sub3A_214 : vector<2048x1024xf32>
      %integer_pow3A_216 = arith.mulf %sub3A_215, %sub3A_215 : vector<2048x1024xf32>
      %reduce_sum3A_217 = arith.constant dense<0.000000e+00> : vector<2048xf32>
      %reduce_sum3A_218 = vector.multi_reduction <add>, %integer_pow3A_216, %reduce_sum3A_217 [1] : vector<2048x1024xf32> to vector<2048xf32>
      %broadcast_in_dim3A_219 = vector.shape_cast %reduce_sum3A_218 : vector<2048xf32> to vector<2048x1xf32>
      %div3A_220 = arith.constant 1.024000e+03 : f32
      %div3A_221 = vector.broadcast %div3A_220 : f32 to vector<2048x1xf32>
      %div3A_222 = arith.divf %broadcast_in_dim3A_219, %div3A_221 : vector<2048x1xf32>
      %sub3A_223 = vector.broadcast %div3A_213 : vector<2048x1xf32> to vector<2048x1024xf32>
      %sub3A_224 = arith.subf %add3A_207, %sub3A_223 : vector<2048x1024xf32>
      %add3A_225 = arith.constant 9.99999974E-6 : f32
      %add3A_226 = vector.broadcast %add3A_225 : f32 to vector<2048x1xf32>
      %add3A_227 = arith.addf %div3A_222, %add3A_226 : vector<2048x1xf32>
      %sqrt3A_228 = math.sqrt %add3A_227 : vector<2048x1xf32>
      %div3A_229 = vector.broadcast %sqrt3A_228 : vector<2048x1xf32> to vector<2048x1024xf32>
      %div3A_230 = arith.divf %sub3A_224, %div3A_229 : vector<2048x1024xf32>
      %mul3A_231 = vector.broadcast %get3A_199 : vector<1x1024xf32> to vector<2048x1024xf32>
      %mul3A_232 = arith.mulf %div3A_230, %mul3A_231 : vector<2048x1024xf32>
      %add3A_233 = vector.broadcast %get3A_202 : vector<1x1024xf32> to vector<2048x1024xf32>
      %add3A_234 = arith.addf %mul3A_232, %add3A_233 : vector<2048x1024xf32>
      %convert_element_type3A_235 = arith.truncf %add3A_234 : vector<2048x1024xf32> to vector<2048x1024xbf16>
      %get3A_236 = arith.constant 0 : index
      %get3A_237 = arith.constant 0 : index
      %get3A_238 = vector.load %arg14[%get3A_236, %get3A_237] : memref<1x128xf32, #tpu.memory_space<vmem>>, vector<1x1xf32>
      %get3A_239 = vector.extract %get3A_238[0, 0] : f32 from vector<1x1xf32>
      %gt3A_240 = arith.constant 0.000000e+00 : f32
      %gt3A_241 = arith.cmpf ogt, %get3A_239, %gt3A_240 : f32
      %get3A_242 = arith.constant 0 : index
      %get3A_243 = arith.constant 0 : index
      %get3A_244 = vector.load %arg1[%get3A_242, %get3A_243] : memref<2048x1024xbf16, #tpu.memory_space<vmem>>, vector<2048x1024xbf16>
      %select_n3A_245 = arith.select %gt3A_241, %convert_element_type3A_235, %get3A_244 : vector<2048x1024xbf16>
      %swap3A_246 = arith.constant 0 : index
      %swap3A_247 = arith.constant 0 : index
      %swap3A_248 = vector.load %arg20[%swap3A_246, %swap3A_247] : memref<2048x1024xbf16, #tpu.memory_space<vmem>>, vector<2048x1024xbf16>
      tpu.vector_store %arg20[%swap3A_246, %swap3A_247], %select_n3A_245 {strides = array<i32>} : memref<2048x1024xbf16, #tpu.memory_space<vmem>>, vector<2048x1024xbf16>,
    } else {
    }
    %get3A = arith.constant 0 : index
    %get3A_2 = arith.constant 0 : index
    %get3A_3 = vector.load %arg20[%get3A, %get3A_2] : memref<2048x1024xbf16, #tpu.memory_space<vmem>>, vector<2048x1024xbf16>
    %get3A_4 = arith.constant 0 : index
    %get3A_5 = arith.constant 0 : index
    %get3A_6 = vector.load %arg17[%get3A_4, %get3A_5] : memref<512x1024xf32, #tpu.memory_space<vmem>>, vector<512x1024xf32>
    %convert_element_type3A_7 = arith.truncf %get3A_6 : vector<512x1024xf32> to vector<512x1024xbf16>
    %dot_general3A = arith.constant dense<0.000000e+00> : vector<2048x512xf32>
    %dot_general3A_8 = tpu.matmul %get3A_3, %convert_element_type3A_7, %dot_general3A {dimension_numbers = #tpu.dot_dimension_numbers<[1], [1], [0], [0], [0, 0, 1, 0], [], []>, transpose_lhs_hint = false} : vector<2048x1024xbf16>, vector<512x1024xbf16>, vector<2048x512xf32> -> vector<2048x512xf32>
    %swap3A = arith.constant 0 : index
    %swap3A_9 = arith.constant 0 : index
    %swap3A_10 = vector.load %arg18[%swap3A, %swap3A_9] : memref<2048x512xf32, #tpu.memory_space<vmem>>, vector<2048x512xf32>
    tpu.vector_store %arg18[%swap3A, %swap3A_9], %dot_general3A_8 {strides = array<i32>} : memref<2048x512xf32, #tpu.memory_space<vmem>>, vector<2048x512xf32>,
    return
  }
  func.func @transform_0(%arg0: i32) -> (i32, i32) {
    %c0_i32 = arith.constant 0 : i32
    %c0_i32_0 = arith.constant 0 : i32
    %c0_i32_1 = arith.constant 0 : i32
    return %c0_i32, %c0_i32_0 : i32, i32
  }
  func.func @transform_1(%arg0: i32) -> (i32, i32) {
    %c0_i32 = arith.constant 0 : i32
    %c0_i32_0 = arith.constant 0 : i32
    %c0_i32_1 = arith.constant 0 : i32
    return %c0_i32, %c0_i32_0 : i32, i32
  }
  func.func @transform_2(%arg0: i32) -> (i32, i32) {
    %c0_i32 = arith.constant 0 : i32
    %c0_i32_0 = arith.constant 0 : i32
    %c0_i32_1 = arith.constant 0 : i32
    return %c0_i32, %c0_i32_0 : i32, i32
  }
  func.func @transform_3(%arg0: i32) -> (i32, i32) {
    %c0_i32 = arith.constant 0 : i32
    %c0_i32_0 = arith.constant 0 : i32
    %c0_i32_1 = arith.constant 0 : i32
    return %c0_i32, %c0_i32_0 : i32, i32
  }
  func.func @transform_4(%arg0: i32) -> (i32, i32) {
    %c0_i32 = arith.constant 0 : i32
    %c0_i32_0 = arith.constant 0 : i32
    %c0_i32_1 = arith.constant 0 : i32
    return %c0_i32, %c0_i32_0 : i32, i32
  }
  func.func @transform_5(%arg0: i32) -> (i32, i32) {
    %c0_i32 = arith.constant 0 : i32
    %c0_i32_0 = arith.constant 0 : i32
    %c0_i32_1 = arith.constant 0 : i32
    return %c0_i32, %c0_i32_0 : i32, i32
  }
  func.func @transform_6(%arg0: i32) -> (i32, i32) {
    %c0_i32 = arith.constant 0 : i32
    %c0_i32_0 = arith.constant 0 : i32
    %c0_i32_1 = arith.constant 0 : i32
    return %c0_i32, %c0_i32_0 : i32, i32
  }
  func.func @transform_7(%arg0: i32) -> (i32, i32) {
    %c0_i32 = arith.constant 0 : i32
    %c0_i32_0 = arith.constant 0 : i32
    %c0_i32_1 = arith.constant 0 : i32
    return %c0_i32, %c0_i32_0 : i32, i32
  }
  func.func @transform_8(%arg0: i32) -> (i32, i32) {
    %c0_i32 = arith.constant 0 : i32
    %c0_i32_0 = arith.constant 0 : i32
    %c0_i32_1 = arith.constant 0 : i32
    return %c0_i32, %c0_i32_0 : i32, i32
  }
  func.func @transform_9(%arg0: i32) -> (i32, i32) {
    %c0_i32 = arith.constant 0 : i32
    %c0_i32_0 = arith.constant 0 : i32
    %c0_i32_1 = arith.constant 0 : i32
    return %c0_i32, %c0_i32_0 : i32, i32
  }
  func.func @transform_10(%arg0: i32) -> (i32, i32) {
    %c0_i32 = arith.constant 0 : i32
    %c0_i32_0 = arith.constant 0 : i32
    %c0_i32_1 = arith.constant 0 : i32
    return %c0_i32, %c0_i32_0 : i32, i32
  }
  func.func @transform_11(%arg0: i32) -> (i32, i32) {
    %c0_i32 = arith.constant 0 : i32
    %c0_i32_0 = arith.constant 0 : i32
    %c0_i32_1 = arith.constant 0 : i32
    return %c0_i32, %c0_i32_0 : i32, i32
  }
  func.func @transform_12(%arg0: i32) -> (i32, i32) {
    %c0_i32 = arith.constant 0 : i32
    %c0_i32_0 = arith.constant 0 : i32
    %c0_i32_1 = arith.constant 0 : i32
    return %c0_i32, %c0_i32_0 : i32, i32
  }
  func.func @transform_13(%arg0: i32) -> (i32, i32) {
    %c0_i32 = arith.constant 0 : i32
    %c0_i32_0 = arith.constant 0 : i32
    %c0_i32_1 = arith.constant 0 : i32
    return %c0_i32, %c0_i32_0 : i32, i32
  }
  func.func @transform_14(%arg0: i32) -> (i32, i32) {
    %c0_i32 = arith.constant 0 : i32
    %c0_i32_0 = arith.constant 0 : i32
    %c0_i32_1 = arith.constant 0 : i32
    return %c0_i32, %c0_i32_0 : i32, i32
  }
  func.func @transform_15(%arg0: i32) -> (i32, i32) {
    %c0_i32 = arith.constant 0 : i32
    %c0_i32_0 = arith.constant 0 : i32
    %c0_i32_1 = arith.constant 0 : i32
    return %c0_i32, %c0_i32_0 : i32, i32
  }
  func.func @transform_16(%arg0: i32) -> (i32, i32) {
    %c0_i32 = arith.constant 0 : i32
    %c0_i32_0 = arith.constant 0 : i32
    return %arg0, %c0_i32 : i32, i32
  }
  func.func @transform_17(%arg0: i32) -> (i32, i32) {
    %c0_i32 = arith.constant 0 : i32
    %c0_i32_0 = arith.constant 0 : i32
    return %c0_i32, %arg0 : i32, i32
  }
  func.func @transform_18(%arg0: i32) -> (i32, i32) {
    %c0_i32 = arith.constant 0 : i32
    %c0_i32_0 = arith.constant 0 : i32
    %c0_i32_1 = arith.constant 0 : i32
    return %c0_i32, %c0_i32_0 : i32, i32
  }
}

</mosaic_0001>

<sc_bundles>
// kernel: kernel.5.cloned.1.call-start
scs
__scs_entry_jumppad:
0x0: {  	(pc) =	sbr.rel $0x88, $3  }
0x1: {  	(tag) =	ssettag $0x0;
	lr =	simm.s32 $0x1  }
0x2: {  	[smem:$0x3F8F] =	sst lr;
	_ =	strace $0xD0000000  }
0x3: {  	_ = 	snop  }
0x4: {  	_ = 	snop  }
0x5: {  	_ = 	snop  }
0x6: {  	_ = 	snop  }
0x7: {  	_ = 	snop  }
__scs_overlays_trampoline_lowered:
0x8: {  	[smem:$0x3F9E] =	sst s0  }
0x9: {  	[smem:$0x3F9F] =	sst s1  }
0xa: {  	[smem:$0x3FA0] =	sst s2  }
0xb: {  	[smem:$0x3FA1] =	sst s3  }
0xc: {  	[smem:$0x3FA2] =	sst s4  }
0xd: {  	[smem:$0x3FA3] =	sst s5  }
0xe: {  	[smem:$0x3FA4] =	sst s6  }
0xf: {  	[smem:$0x3FA5] =	sst s7  }
0x10: {  	[smem:$0x3FA6] =	sst s8  }
0x11: {  	[smem:$0x3FA7] =	sst s9;
	s0 =	simm.s32 @!p0 $0x0  }
0x12: {  	s1 =	sld [smem:$0x3F8D];
	s0 =	simm.s32 @p0 $0x1  }
0x13: {  	[smem:$0x3FA8] =	sst s0;
	s0 =	simm.s32 @!p1 $0x0  }
0x14: {  	s2 =	sld [smem:$0x3F8C];
	s0 =	simm.s32 @p1 $0x1  }
0x15: {  	[smem:$0x3FA9] =	sst s0;
	s0 =	simm.s32 @!p2 $0x0  }
0x16: {  	s3 =	sld [smem:$0x3FDB];
	s0 =	simm.s32 @p2 $0x1  }
0x17: {  	s4 =	simm.s32 $0x1BF5;
	[smem:$0x3FAB] =	sst s0  }
0x18: {  	s0 =	sld [smem:$0x3F8E];
	_ =	swait.ge [sflag:s4], $0x0  }
0x19: {  	s7 =	sld [smem:$0x3F8F]  }
0x1a: {  	s8 =	sadd.s32 $0xFFFFE003, lr  }
0x1b: {  	s9 =	sadd.s32 $0xFFFFFEF7, lr;
	s5 =	simm.s32 $0xFFFFFFFF;
	p2 =	slt.u32 s8, $0xFFFFF086  }
0x1c: {  	p1 =	slt.u32 s9, $0xF7A;
	s5 =	simm.s32 @!p2 $0x0  }
0x1d: {  	s5 =	simm.s32 @p1 $0x1;
	p0 =	seq.s32 s7, s2  }
0x1e: {  	s7 =	smul.u32 @!p0 $0xF7A, s2;
	p2 =	seq.s32 @!p0 s5, $0x0  }
0x1f: {  	s9 =	smul.u32 $0xF7A, s1;
	s8 =	simm.s32 @!p0 $0x1BF5;
	p2 =	por !p2, p0  }
0x20: {  	[sflag:s8] =	ssyncset.s32 @!p0 $0xFFFFF086;
	s6 =	sadd.s32 @!p0 s3, s7;
	s7 =	simm.s32 @!p0 $0x108  }
0x21: {  	s3 =	sadd.s32 s3, s9;
	s6 =	sadd.s32 @!p0 $0x88, s6;
	s7 =	simm.s32 @p2 $0x1082  }
0x22: {  	[simem:s7], [sflag:s8] =	dma.local @!p0 [hbm:s6], $0xF7A  }
0x23: {  	s9 =	sor.u32 $0xD0000000, s2;
	s6 =	simm.s32 $0x108;
	_ =	swait.ge @!p0 [sflag:s8], $0x0  }
0x24: {  	s3 =	sadd.s32 $0x88, s3;
	s6 =	simm.s32 @!p1 $0x1082;
	[sflag:s4] =	ssyncset.s32 $0xFFFFF086  }
0x25: {  	[simem:s6], [sflag:s4] =	dma.local [hbm:s3], $0xF7A  }
0x26: {  	[smem:$0x3F8F] =	sst s1;
	(tag) =	ssettag s2;
	_ =	strace s9  }
0x27: {  	s1 =	sld [smem:$0x3F9F]  }
0x28: {  	s2 =	sld [smem:$0x3FA0]  }
0x29: {  	s4 =	sld [smem:$0x3FA2]  }
0x2a: {  	p0 =	seq.s32 s5, $0x0;
	s5 =	sld [smem:$0x3FA3]  }
0x2b: {  	s6 =	sld [smem:$0x3FA4]  }
0x2c: {  	s7 =	sld [smem:$0x3FA5]  }
0x2d: {  	s3 =	simm.s32 $0x108;
	s8 =	sld [smem:$0x3FA6]  }
0x2e: {  	s3 =	simm.s32 @!p0 $0x1082;
	s9 =	sld [smem:$0x3FA7]  }
0x2f: {  	lr =	sadd.s32 s0, s3;
	s0 =	sld [smem:$0x3F9E]  }
0x30: {  	s3 =	sld [smem:$0x3FA1]  }
0x31: {  	[smem:$0x3FAA] =	sst s10  }
0x32: {  	s10 =	sld [smem:$0x3FA8];
	_ =	sdelay $0x3  }
0x33: {  	p0 =	seq.s32 s10, $0x1;
	s10 =	sld [smem:$0x3FAA];
	_ =	sdelay $0x3  }
0x34: {  	[smem:$0x3FAA] =	sst s10  }
0x35: {  	s10 =	sld [smem:$0x3FA9];
	_ =	sdelay $0x3  }
0x36: {  	p1 =	seq.s32 s10, $0x1;
	s10 =	sld [smem:$0x3FAA];
	_ =	sdelay $0x3  }
0x37: {  	[smem:$0x3FAA] =	sst s10  }
0x38: {  	s10 =	sld [smem:$0x3FAB]  }
0x39: {  	_ = 	snop;
	(pc) =	sbr.ind lr, $3  }
0x3a: {  	_ = 	snop  }
0x3b: {  	_ = 	snop  }
0x3c: {  	p2 =	seq.s32 s10, $0x1;
	s10 =	sld [smem:$0x3FAA]  }
0x3d: {  	_ =	shalt  }
0x3e: {  	_ =	shalt  }
0x3f: {  	_ =	shalt  }
0x40: {  	_ =	shalt  }
0x41: {  	_ =	shalt  }
0x42: {  	_ =	shalt  }
0x43: {  	_ =	shalt  }
0x44: {  	_ =	shalt  }
0x45: {  	_ =	shalt  }
0x46: {  	_ =	shalt  }
0x47: {  	_ =	shalt  }
0x48: {  	_ =	shalt  }
0x49: {  	_ =	shalt  }
0x4a: {  	_ =	shalt  }
0x4b: {  	_ =	shalt  }
0x4c: {  	_ =	shalt  }
0x4d: {  	_ =	shalt  }
0x4e: {  	_ =	shalt  }
0x4f: {  	_ =	shalt  }
0x50: {  	_ =	shalt  }
0x51: {  	_ =	shalt  }
0x52: {  	_ =	shalt  }
0x53: {  	_ =	shalt  }
0x54: {  	_ =	shalt  }
0x55: {  	_ =	shalt  }
0x56: {  	_ =	shalt  }
0x57: {  	_ =	shalt  }
0x58: {  	_ =	shalt  }
0x59: {  	_ =	shalt  }
0x5a: {  	_ =	shalt  }
0x5b: {  	_ =	shalt  }
0x5c: {  	_ =	shalt  }
0x5d: {  	_ =	shalt  }
0x5e: {  	_ =	shalt  }
0x5f: {  	_ =	shalt  }
0x60: {  	_ =	shalt  }
0x61: {  	_ =	shalt  }
0x62: {  	_ =	shalt  }
0x63: {  	_ =	shalt  }
0x64: {  	_ =	shalt  }
0x65: {  	_ =	shalt  }
0x66: {  	_ =	shalt  }
0x67: {  	_ =	shalt  }
0x68: {  	_ =	shalt  }
0x69: {  	_ =	shalt  }
0x6a: {  	_ =	shalt  }
0x6b: {  	_ =	shalt  }
0x6c: {  	_ =	shalt  }
0x6d: {  	_ =	shalt  }
0x6e: {  	_ =	shalt  }
0x6f: {  	_ =	shalt  }
0x70: {  	_ =	shalt  }
0x71: {  	_ =	shalt  }
0x72: {  	_ =	shalt  }
0x73: {  	_ =	shalt  }
0x74: {  	_ =	shalt  }
0x75: {  	_ =	shalt  }
0x76: {  	_ =	shalt  }
0x77: {  	_ =	shalt  }
0x78: {  	_ =	shalt  }
0x79: {  	_ =	shalt  }
0x7a: {  	_ =	shalt  }
0x7b: {  	_ =	shalt  }
0x7c: {  	_ =	shalt  }
0x7d: {  	_ =	shalt  }
0x7e: {  	_ =	shalt  }
0x7f: {  	_ =	shalt  }
0x80: {  	_ =	shalt  }
0x81: {  	_ =	shalt  }
0x82: {  	_ =	shalt  }
0x83: {  	_ =	shalt  }
0x84: {  	_ =	shalt  }
0x85: {  	_ =	shalt  }
0x86: {  	_ =	shalt  }
0x87: {  	_ =	shalt  }
.Lfunc_end0:
.L_simem_size_0:
called_computation_lowered:
.L_overlay_start_0:
0x88: {  	s2 =	sld [smem:$0x3FD9]  }
0x89: {  	s3 =	sld [smem:$0x3FFE];
	_ =	sdelay $0x1  }
0x8a: {  	s1 =	srdreg.scid  }
0x8b: {  	s0 =	sand.u32 $0x1, s1  }
0x8c: {  	s15 =	sshll.u32 s0, $0xA;
	s2 =	sadd.s32 s3, s2  }
0x8d: {  	s2 =	sadd.s32 s2, s15  }
0x8e: {  	[smem:$0x3FB6] =	sst s2  }
0x8f: {  	_ = 	snop  }
0x90: {  	s2 =	sld [smem:$0x3FD0];
	_ =	sdelay $0x1  }
0x91: {  	s16 =	sld [smem:$0x3FC9]  }
0x92: {  	s5 =	simm.s32 $0xA;
	s6 =	simm.s32 $0x10;
	s4 =	sld [smem:$0x3FC8]  }
0x93: {  	[smem:s6], [sflag:s5] =	dma.local [hbm:s2], $0x1  }
0x94: {  	_ =	swait.eq [sflag:s5], $0x1  }
0x95: {  	[sflag:s5] =	ssyncset.done $0x0  }
0x96: {  	[sflag:s5] =	ssyncadd.s32 $0xFFFFFFFF  }
0x97: {  	s17 =	sld [smem:$0x10];
	(tm) =	ssettm $0x1  }
0x98: {  	s18 =	sld [smem:$0x3FFB];
	_ =	sdelay $0x3  }
0x99: {  	_ =	strace s18  }
0x9a: {  	s5 =	sld [smem:$0x3FFC];
	_ =	sdelay $0x3  }
0x9b: {  	_ =	strace s5  }
0x9c: {  	s5 =	sld [smem:$0x3FFD];
	_ =	sdelay $0x3  }
0x9d: {  	_ =	strace s5  }
0x9e: {  	_ =	strace $0x8FFFFFFF  }
0x9f: {  	s19 =	sld [smem:$0x3FDB];
	_ =	sdelay $0x1  }
0xa0: {  	s20 =	simm.s32 $_scs_section_size  }
0xa1: {  	s7 =	simm.s32 $_size__tile_overlayer_lowered;
	s8 =	simm.s32 $_tile_overlayer_lowered  }
0xa2: {  	s23 =	simm.s32 $0x1BFF;
	s22 =	sshll.u32 s8, $0x1;
	s5 =	sadd.s32 s20, s19  }
0xa3: {  	s9 =	simm.s32 $0x0;
	s21 =	sshll.u32 s7, $0x1;
	s7 =	sadd.s32 s22, s5  }
0xa4: {  	[timem:s9], [sflag:s23] =	dma.local [hbm:s7], s21  }
0xa5: {  	_ =	swait.ge [sflag:s23], s21  }
0xa6: {  	s6 =	ssub.s32 $0x0, s21;
	[sflag:s23] =	ssyncset.done $0x0  }
0xa7: {  	[sflag:s23] =	ssyncadd.s32 s6;
	_ =	sdelay $0x1  }
0xa8: {  	s24 =	simm.s32 $0x1B8B  }
0xa9: {  	_ =	swait.ge [sflag:s24], $0x1  }
0xaa: {  	[sflag:s24] =	ssyncset.done $0x0  }
0xab: {  	s25 =	simm.s32 $0x1B8E;
	[sflag:s24] =	ssyncadd.s32 $0xFFFFFFFF  }
0xac: {  	s26 =	simm.s32 $execute0_lowered;
	[smem:$0x3FD2] =	sst s25  }
0xad: {  	s6 =	sshll.u32 s26, $0x1;
	_ =	strace $0x80000046;
	[dreg:$0x1] =	wrdreg $0xFFFFFFFF  }
0xae: {  	s28 =	simm.s32 $_size_execute0_lowered;
	s5 =	sadd.s32 s5, s6;
	[dreg:$0x0] =	wrdreg $0x0  }
0xaf: {  	s6 =	sshll.u32 s28, $0x1;
	[dreg:$0x2] =	wrdreg s5  }
0xb0: {  	[dreg:$0x3] =	wrdreg s6  }
0xb1: {  	[dreg:$0x4] =	wrdreg $0xC0  }
0xb2: {  	_ =	task [dreg:s9], $0x5FFFF  }
0xb3: {  	[dreg:$0x1] =	wrdreg $0xFFFFFFFF  }
0xb4: {  	[dreg:$0x0] =	wrdreg $0x60  }
0xb5: {  	[dreg:$0x2] =	wrdreg s4  }
0xb6: {  	[dreg:$0x3] =	wrdreg s16  }
0xb7: {  	[dreg:$0x4] =	wrdreg s17  }
0xb8: {  	[dreg:$0x5] =	wrdreg $0x9  }
0xb9: {  	_ =	task.clear_ibuf [dreg:s9], $0x6FFFF;
	_ =	strace $0x90000046  }
0xba: {  	s29 =	simm.s32 $0x9;
	_ =	strace $0x80000048  }
0xbb: {  	_ =	swait.ge [sflag:s29], $0x1  }
0xbc: {  	[sflag:s29] =	ssyncadd.s32 $0xFFFFFFFF  }
0xbd: {  	_ =	strace $0x90000048  }
0xbe: {  	_ =	sfence  }
0xbf: {  	s30 =	sld [smem:$0x0];
	_ =	sdelay $0x2  }
0xc0: {  	s31 =	sshll.u32 s1, $0xD;
	s1 =	sshrl.u32 s1, $0x2  }
0xc1: {  	s3 =	sand.u32 $0x4000, s31;
	s1 =	sadd.s32 s1, s30  }
0xc2: {  	s0 =	sor.u32 s3, s0;
	s1 =	sshll.u32 s1, $0x11  }
0xc3: {  	s0 =	sor.u32 s1, s0  }
0xc4: {  	s0 =	sadd.s32 $0x8F2B, s0  }
0xc5: {  	[sflag:s0] =	ssyncadd.remote.s32 $0x1  }
0xc6: {  	_ =	sfence.sel $0xFFFF  }
0xc7: {  	[dreg:$0x0] =	wrdreg $0xFFFFFFFF;
	(pc) =	sbr.abs _section_cstart, $3  }
0xc8: {  	[dreg:$0x1] =	wrdreg $0xFFFFFFFF  }
0xc9: {  	_ =	task.clear_ibuf [dreg:s9], $0x2FFFF;
	_ =	strace $0x9FFFFFFF  }
0xca: {  	(tm) =	ssettm $0x7FFFFFFF  }
0xcb: {  	_ =	shalt  }
tec
execute0_lowered:
.L_overlay_start_1:
0x0: {  	(tag) =	ssettag $0x1  }
0x1: {  	s1 =	rddreg [dreg:$0x0]  }
0x2: {  	s2 =	srdreg.scid;
	s4 =	rddreg [dreg:$0x1]  }
0x3: {  	s0 =	stileid.u32;
	s5 =	rddreg [dreg:$0x2]  }
0x4: {  	s3 =	simm.s32 $0x0;
	s17 =	simm.s32 $0x880;
	s18 =	simm.s32 $0x1080  }
0x5: {  	s19 =	simm.s32 $0x1880;
	s21 =	simm.s32 $0x2080;
	s22 =	simm.s32 $0x2880  }
0x6: {  	s23 =	simm.s32 $0x3080;
	s24 =	simm.s32 $0x3880;
	[smem:$0x7FF] =	sst s3  }
0x7: {  	s8 =	simm.s32 $0x4080;
	_ =	strace $0x80000047;
	[dreg:$0x6] =	wrdreg s17  }
0x8: {  	s25 =	simm.s32 $0x4880;
	s26 =	simm.s32 $0x5080;
	[dreg:$0x7] =	wrdreg s18  }
0x9: {  	s9 =	simm.s32 $0x80;
	s11 =	simm.s32 $0x6080;
	[dreg:$0x8] =	wrdreg s19  }
0xa: {  	s12 =	simm.s32 $0x6880;
	s13 =	simm.s32 $0x7080;
	[dreg:$0x9] =	wrdreg s21  }
0xb: {  	s14 =	simm.s32 $0x7880;
	s15 =	simm.s32 $0x8080;
	[dreg:$0xa] =	wrdreg s22  }
0xc: {  	s28 =	simm.s32 $0xE080;
	s29 =	simm.s32 $0xE880;
	[dreg:$0xb] =	wrdreg s23  }
0xd: {  	s30 =	simm.s32 $0xF080;
	s31 =	simm.s32 $0xF880;
	[dreg:$0xc] =	wrdreg s24  }
0xe: {  	s2 =	sand.u32 $0x1, s2;
	s6 =	sshll.u32 s0, $0x7;
	[dreg:$0xd] =	wrdreg s8  }
0xf: {  	s7 =	sshll.u32 s2, $0x6;
	s2 =	ssub.s32 $0x2, s2;
	[dreg:$0xe] =	wrdreg s25  }
0x10: {  	s8 =	simm.s32 $0x2;
	[dreg:$0xf] =	wrdreg s26;
	s17 =	simm.s32 $0x9080  }
0x11: {  	s18 =	simm.s32 $0x9880;
	s19 =	simm.s32 $0xA080;
	s21 =	simm.s32 $0xB080  }
0x12: {  	s22 =	simm.s32 $0xB880;
	s23 =	simm.s32 $0xC080;
	s24 =	simm.s32 $0xC880  }
0x13: {  	s25 =	simm.s32 $0xD080;
	s26 =	simm.s32 $0xD880;
	s6 =	sor.u32 s7, s6  }
0x14: {  	s20 =	sshrl.u32 s2, $0x1;
	s7 =	sshrl.u32 s6, $0x3;
	s6 =	sshll.u32 s6, $0x7  }
0x15: {  	s2 =	ssub.s32 s2, s20;
	s20 =	simm.s32 $0xA880;
	s4 =	sadd.s32 s4, s7  }
0x16: {  	v2 =	vlaneseq.u32;
	s16 =	sadd.s32 s5, s6;
	s5 =	sadd.s32 $0x200, s1;
	s6 =	sadd.s32 $0x300, s1  }
0x17: {  	vm0 =	vmmov $0xffff;
	v1 =	vshrl.u32 v2, $0x3;
	s7 =	smax.u32 s2, $0x1;
	s2 =	simm.s32 $0x1;
	[dreg:$0x4] =	wrdreg s4  }
0x18: {  	v0 =	vand.u32 $0x7, v2;
	v2 =	vor.u32 $0x8, v2;
	v1 =	vmul.u32 $0x8, v1;
	[dreg:$0x5] =	wrdreg s16;
	s4 =	sadd.s32 $0x100, s1;
	s16 =	simm.s32 $0x8880  }
.LBB2_1:
0x19: {  	s0 =	rddreg [dreg:$0x4]  }
0x1a: {  	[tilespmem:s3], [sflag:$0x2] =	stream.linear.gather [hbm4b:s0+s3], $0x40, $0x38;
	[tilespmem:$0x10080] =	vst v63  }
0x1b: {  	_ =	swait.ge [sflag:s8], $0x40  }
0x1c: {  	[sflag:s8] =	ssyncset.done $0x0  }
0x1d: {  	[sflag:s8] =	ssyncadd.s32 $0xFFFFFFC0  }
0x1e: {  	v3 =	vld [tilespmem:$0x0];
	_ =	sdelay $0x4  }
0x1f: {  	v4 =	vshll.u32 v3, $0x3  }
0x20: {  	v3 =	vand.u32 $0x7, v3;
	v4 =	vand.u32 $0xFFFFFFC0, v4  }
0x21: {  	v3 =	vor.u32 v3, v4  }
0x22: {  	v4 =	vperm.xlane v3, v0;
	_ =	sdelay $0x1  }
0x23: {  	v4 =	vadd.s32 v1, v4;
	_ =	sdelay $0x4  }
0x24: {  	[tilespmem:s9], [sflag:$0x1] =	stream.indirect_vreg.gather [hbm4b:s1+s3], $0x80, v4, vm0, $0xb8;
	[tilespmem:$0x10080] =	vst v63  }
0x25: {  	s0 =	rddreg [dreg:$0x6];
	v3 =	vperm.xlane v3, v2  }
0x26: {  	[tilespmem:s0], [sflag:$0x1] =	stream.indirect_vreg.gather [hbm4b:s4+s3], $0x80, v4, vm0, $0xb8;
	[tilespmem:$0x10080] =	vst v63  }
0x27: {  	s10 =	rddreg [dreg:$0x7];
	v3 =	vadd.s32 v1, v3  }
0x28: {  	[tilespmem:s10], [sflag:$0x1] =	stream.indirect_vreg.gather [hbm4b:s5+s3], $0x80, v4, vm0, $0xb8;
	[tilespmem:$0x10080] =	vst v63  }
0x29: {  	s0 =	rddreg [dreg:$0x8]  }
0x2a: {  	[tilespmem:s0], [sflag:$0x1] =	stream.indirect_vreg.gather [hbm4b:s6+s3], $0x80, v4, vm0, $0xb8;
	[tilespmem:$0x10080] =	vst v63  }
0x2b: {  	s10 =	rddreg [dreg:$0x9]  }
0x2c: {  	[tilespmem:s10], [sflag:$0x1] =	stream.indirect_vreg.gather [hbm4b:s1+s3], $0x80, v3, vm0, $0xb8;
	[tilespmem:$0x10080] =	vst v63  }
0x2d: {  	s0 =	rddreg [dreg:$0xa]  }
0x2e: {  	[tilespmem:s0], [sflag:$0x1] =	stream.indirect_vreg.gather [hbm4b:s4+s3], $0x80, v3, vm0, $0xb8;
	[tilespmem:$0x10080] =	vst v63  }
0x2f: {  	s10 =	rddreg [dreg:$0xb]  }
0x30: {  	[tilespmem:s10], [sflag:$0x1] =	stream.indirect_vreg.gather [hbm4b:s5+s3], $0x80, v3, vm0, $0xb8;
	[tilespmem:$0x10080] =	vst v63  }
0x31: {  	s0 =	rddreg [dreg:$0xc]  }
0x32: {  	[tilespmem:s0], [sflag:$0x1] =	stream.indirect_vreg.gather [hbm4b:s6+s3], $0x80, v3, vm0, $0xb8;
	[tilespmem:$0x10080] =	vst v63  }
0x33: {  	v3 =	vld [tilespmem:$0x10];
	_ =	sdelay $0x4  }
0x34: {  	v61 =	vshll.u32 v3, $0x3  }
0x35: {  	v3 =	vand.u32 $0x7, v3;
	v4 =	vand.u32 $0xFFFFFFC0, v61  }
0x36: {  	v3 =	vor.u32 v3, v4  }
0x37: {  	v4 =	vperm.xlane v3, v0;
	_ =	sdelay $0x1  }
0x38: {  	v4 =	vadd.s32 v1, v4;
	_ =	sdelay $0x3  }
0x39: {  	s0 =	rddreg [dreg:$0xd]  }
0x3a: {  	[tilespmem:s0], [sflag:$0x1] =	stream.indirect_vreg.gather [hbm4b:s1+s3], $0x80, v4, vm0, $0xb8;
	[tilespmem:$0x10080] =	vst v63  }
0x3b: {  	s10 =	rddreg [dreg:$0xe];
	v3 =	vperm.xlane v3, v2  }
0x3c: {  	[tilespmem:s10], [sflag:$0x1] =	stream.indirect_vreg.gather [hbm4b:s4+s3], $0x80, v4, vm0, $0xb8;
	[tilespmem:$0x10080] =	vst v63  }
0x3d: {  	v3 =	vadd.s32 v1, v3;
	s0 =	rddreg [dreg:$0xf]  }
0x3e: {  	[tilespmem:s0], [sflag:$0x1] =	stream.indirect_vreg.gather [hbm4b:s5+s3], $0x80, v4, vm0, $0xb8;
	[tilespmem:$0x10080] =	vst v63  }
0x3f: {  	s10 =	simm.s32 $0x5880  }
0x40: {  	[tilespmem:s10], [sflag:$0x1] =	stream.indirect_vreg.gather [hbm4b:s6+s3], $0x80, v4, vm0, $0xb8;
	[tilespmem:$0x10080] =	vst v63  }
0x41: {  	_ = 	snop  }
0x42: {  	[tilespmem:s11], [sflag:$0x1] =	stream.indirect_vreg.gather [hbm4b:s1+s3], $0x80, v3, vm0, $0xb8;
	[tilespmem:$0x10080] =	vst v63  }
0x43: {  	_ = 	snop  }
0x44: {  	[tilespmem:s12], [sflag:$0x1] =	stream.indirect_vreg.gather [hbm4b:s4+s3], $0x80, v3, vm0, $0xb8;
	[tilespmem:$0x10080] =	vst v63  }
0x45: {  	_ = 	snop  }
0x46: {  	[tilespmem:s13], [sflag:$0x1] =	stream.indirect_vreg.gather [hbm4b:s5+s3], $0x80, v3, vm0, $0xb8;
	[tilespmem:$0x10080] =	vst v63  }
0x47: {  	_ = 	snop  }
0x48: {  	[tilespmem:s14], [sflag:$0x1] =	stream.indirect_vreg.gather [hbm4b:s6+s3], $0x80, v3, vm0, $0xb8;
	[tilespmem:$0x10080] =	vst v63  }
0x49: {  	v3 =	vld [tilespmem:$0x20];
	_ =	sdelay $0x4  }
0x4a: {  	v62 =	vshll.u32 v3, $0x3  }
0x4b: {  	v3 =	vand.u32 $0x7, v3;
	v4 =	vand.u32 $0xFFFFFFC0, v62  }
0x4c: {  	v3 =	vor.u32 v3, v4  }
0x4d: {  	v4 =	vperm.xlane v3, v0;
	_ =	sdelay $0x1  }
0x4e: {  	v4 =	vadd.s32 v1, v4;
	_ =	sdelay $0x4  }
0x4f: {  	[tilespmem:s15], [sflag:$0x1] =	stream.indirect_vreg.gather [hbm4b:s1+s3], $0x80, v4, vm0, $0xb8;
	[tilespmem:$0x10080] =	vst v63  }
0x50: {  	v3 =	vperm.xlane v3, v2  }
0x51: {  	[tilespmem:s16], [sflag:$0x1] =	stream.indirect_vreg.gather [hbm4b:s4+s3], $0x80, v4, vm0, $0xb8;
	[tilespmem:$0x10080] =	vst v63  }
0x52: {  	v3 =	vadd.s32 v1, v3  }
0x53: {  	[tilespmem:s17], [sflag:$0x1] =	stream.indirect_vreg.gather [hbm4b:s5+s3], $0x80, v4, vm0, $0xb8;
	[tilespmem:$0x10080] =	vst v63  }
0x54: {  	_ = 	snop  }
0x55: {  	[tilespmem:s18], [sflag:$0x1] =	stream.indirect_vreg.gather [hbm4b:s6+s3], $0x80, v4, vm0, $0xb8;
	[tilespmem:$0x10080] =	vst v63  }
0x56: {  	_ = 	snop  }
0x57: {  	[tilespmem:s19], [sflag:$0x1] =	stream.indirect_vreg.gather [hbm4b:s1+s3], $0x80, v3, vm0, $0xb8;
	[tilespmem:$0x10080] =	vst v63  }
0x58: {  	_ = 	snop  }
0x59: {  	[tilespmem:s20], [sflag:$0x1] =	stream.indirect_vreg.gather [hbm4b:s4+s3], $0x80, v3, vm0, $0xb8;
	[tilespmem:$0x10080] =	vst v63  }
0x5a: {  	_ = 	snop  }
0x5b: {  	[tilespmem:s21], [sflag:$0x1] =	stream.indirect_vreg.gather [hbm4b:s5+s3], $0x80, v3, vm0, $0xb8;
	[tilespmem:$0x10080] =	vst v63  }
0x5c: {  	_ = 	snop  }
0x5d: {  	[tilespmem:s22], [sflag:$0x1] =	stream.indirect_vreg.gather [hbm4b:s6+s3], $0x80, v3, vm0, $0xb8;
	[tilespmem:$0x10080] =	vst v63  }
0x5e: {  	v3 =	vld [tilespmem:$0x30];
	_ =	sdelay $0x4  }
0x5f: {  	v63 =	vshll.u32 v3, $0x3  }
0x60: {  	v3 =	vand.u32 $0x7, v3;
	v4 =	vand.u32 $0xFFFFFFC0, v63  }
0x61: {  	v3 =	vor.u32 v3, v4  }
0x62: {  	v4 =	vperm.xlane v3, v0;
	_ =	sdelay $0x1  }
0x63: {  	v4 =	vadd.s32 v1, v4;
	_ =	sdelay $0x4  }
0x64: {  	[tilespmem:s23], [sflag:$0x1] =	stream.indirect_vreg.gather [hbm4b:s1+s3], $0x80, v4, vm0, $0xb8;
	[tilespmem:$0x10080] =	vst v63  }
0x65: {  	v3 =	vperm.xlane v3, v2  }
0x66: {  	[tilespmem:s24], [sflag:$0x1] =	stream.indirect_vreg.gather [hbm4b:s4+s3], $0x80, v4, vm0, $0xb8;
	[tilespmem:$0x10080] =	vst v63  }
0x67: {  	v3 =	vadd.s32 v1, v3  }
0x68: {  	[tilespmem:s25], [sflag:$0x1] =	stream.indirect_vreg.gather [hbm4b:s5+s3], $0x80, v4, vm0, $0xb8;
	[tilespmem:$0x10080] =	vst v63  }
0x69: {  	_ = 	snop  }
0x6a: {  	[tilespmem:s26], [sflag:$0x1] =	stream.indirect_vreg.gather [hbm4b:s6+s3], $0x80, v4, vm0, $0xb8;
	[tilespmem:$0x10080] =	vst v63  }
0x6b: {  	_ = 	snop  }
0x6c: {  	[tilespmem:s28], [sflag:$0x1] =	stream.indirect_vreg.gather [hbm4b:s1+s3], $0x80, v3, vm0, $0xb8;
	[tilespmem:$0x10080] =	vst v63  }
0x6d: {  	_ = 	snop  }
0x6e: {  	[tilespmem:s29], [sflag:$0x1] =	stream.indirect_vreg.gather [hbm4b:s4+s3], $0x80, v3, vm0, $0xb8;
	[tilespmem:$0x10080] =	vst v63  }
0x6f: {  	_ = 	snop  }
0x70: {  	[tilespmem:s30], [sflag:$0x1] =	stream.indirect_vreg.gather [hbm4b:s5+s3], $0x80, v3, vm0, $0xb8;
	[tilespmem:$0x10080] =	vst v63  }
0x71: {  	_ = 	snop  }
0x72: {  	[tilespmem:s31], [sflag:$0x1] =	stream.indirect_vreg.gather [hbm4b:s6+s3], $0x80, v3, vm0, $0xb8;
	[tilespmem:$0x10080] =	vst v63  }
0x73: {  	_ =	swait.ge [sflag:s2], $0x10000  }
0x74: {  	p0 =	sne.s32 s7, $0x1;
	[sflag:s2] =	ssyncset.done $0x0  }
.Ltmp0:
0x75: {  	s10 =	rddreg [dreg:$0x5];
	[sflag:s2] =	ssyncadd.s32 $0xFFFF0000;
	(pc) =	sbr.rel @p0 .LBB2_1-.Ltmp0, $4  }
0x76: {  	[hbm4b:s10+s3] =	stream.linear.scatter [tilespmem:s9], [sflag:$0x2], $0x10000, $0x38;
	[tilespmem:$0x10080] =	vst v63  }
0x77: {  	_ =	swait.ge [sflag:s8], $0x10000  }
0x78: {  	[sflag:s8] =	ssyncset.done $0x0  }
0x79: {  	s7 =	sadd.s32 $0xFFFFFFFF, s7;
	[sflag:s8] =	ssyncadd.s32 $0xFFFF0000  }
0x7a: {  	_ =	sfence.sel $0x180000  }
0x7b: {  	[bflag:$0x0] =	sbarrier.arrive $0xFFFF  }
0x7c: {  	_ =	strace $0x90000047  }
0x7d: {  	s0 =	stileid.u32;
	[bflag:$0x2] =	sbarrier.arrive $0xFFFF  }
0x7e: {  	p0 =	sne.s32 s0, $0x0;
	s0 =	rddreg [dreg:$0x3]  }
0x7f: {  	s0 =	sadd.s32 @!p0 $0x100000, s0  }
0x80: {  	[sflag:s0] =	ssyncadd.tile.s32 @!p0 $0x1;
	_ =	shalt  }
.Lfunc_end2:
_tile_overlayer_lowered:
.L_overlay_start_2:
0x81: {  	(tag) =	ssettag $0x2  }
0x82: {  	s0 =	rddreg [dreg:$0x0];
	s2 =	stileid.u32  }
0x83: {  	s1 =	rddreg [dreg:$0x1];
	p0 =	sne.s32 s2, $0x0  }
0x84: {  	s3 =	rddreg [dreg:$0x2];
	[bflag:$0x3] =	sbarrier.arrive $0xFFFF;
	s2 =	simm.s32 @!p0 $0x1C02  }
0x85: {  	[timem:s3], [sflag:s2] =	dma.local @!p0 [hbm:s0], s1  }
0x86: {  	s0 =	simm.s32 @!p0 $0x2  }
0x87: {  	_ =	swait.ge @!p0 [sflag:s0], s1  }
0x88: {  	s1 =	ssub.s32 @!p0 $0x0, s1;
	[sflag:s0] =	ssyncset.done @!p0 $0x0  }
0x89: {  	[sflag:s0] =	ssyncadd.s32 @!p0 s1  }
0x8a: {  	[bflag:$0x3] =	sbarrier.arrive $0xFFFF  }
0x8b: {  	_ =	shalt  }

</sc_bundles>
